<compile_context>
chip_gen: v7x
topology: tpu7x:2x2x1
jax: 0.10.2.dev20260603
libtpu: 0.0.44.dev20260713+nightly
codegen_flags: <defaults>
</compile_context>

<pallas_src>
import functools

import jax
import jax.numpy as jnp
from jax import lax
from jax.experimental import pallas as pl
from jax.experimental.pallas import tpu as pltpu
from jax.experimental.pallas import tpu_sc as plsc

N = 10000
F_IN = 128
H = 64
C = 40
E = 320000

NC = 2
NS = 16
NW = NC * NS
CHUNK = 128
CPW = 80
EPW = CPW * CHUNK
EPAD = NW * EPW
NPAD = 10240
RPT = NPAD // NS
NPK = NPAD // 2
NBUF = 2

_mesh = plsc.VectorSubcoreMesh(
    core_axis_name="c", subcore_axis_name="s", num_cores=NC, num_subcores=NS)
_sc_params = pltpu.CompilerParams(use_tc_tiling_on_sc=False,
                                  needs_layout_passes=False)


@functools.partial(
    pl.kernel,
    out_type=jax.ShapeDtypeStruct((NC, NPAD // 2, 128), jnp.float32),
    mesh=_mesh,
    compiler_params=_sc_params,
    scratch_types=[
        pltpu.VMEM((CPW, CHUNK), jnp.int32),
        pltpu.VMEM((CHUNK,), jnp.float32),
        pltpu.VMEM((CHUNK,), jnp.float32),
        pltpu.VMEM((RPT,), jnp.float32),
        pltpu.VMEM((RPT // 2, 128), jnp.float32),
        pltpu.VMEM_SHARED((NPAD,), jnp.float32),
    ],
)
def _deg_kernel(c3_hbm, out_hbm, cidx_v, ones_v, zero_v, dv_v, pk_v, dacc_sh):
    cid = lax.axis_index("c")
    sid = lax.axis_index("s")
    wid = cid * NS + sid

    pltpu.sync_copy(c3_hbm.at[wid], cidx_v)

    def fill(i, _):
        ones_v[pl.ds(i * 16, 16)] = jnp.ones((16,), jnp.float32)
        zero_v[pl.ds(i * 16, 16)] = jnp.zeros((16,), jnp.float32)
        return 0

    lax.fori_loop(0, CHUNK // 16, fill, 0)

    base = sid * RPT
    for k in range(RPT // CHUNK):
        pltpu.sync_copy(zero_v, dacc_sh.at[pl.ds(base + k * CHUNK, CHUNK)])
    plsc.subcore_barrier()

    def body(j, _):
        pltpu.sync_copy(ones_v, dacc_sh.at[cidx_v.at[j]], add=True)
        return 0

    lax.fori_loop(0, CPW, body, 0)

    plsc.subcore_barrier()
    pltpu.sync_copy(dacc_sh.at[pl.ds(base, RPT)], dv_v)

    def expand(m, _):
        row = plsc.load_gather(dv_v, [jnp.full((16,), m, jnp.int32)])
        for q in range(4):
            pk_v[m // 2, pl.ds((m % 2) * H + q * 16, 16)] = row
        return 0

    lax.fori_loop(0, RPT, expand, 0)
    pltpu.sync_copy(pk_v, out_hbm.at[cid, pl.ds(sid * (RPT // 2), RPT // 2)])


D = H
_LW = D // 16


@functools.partial(
    pl.kernel,
    out_type=jax.ShapeDtypeStruct((NC, NPAD, D), jnp.float32),
    mesh=_mesh,
    compiler_params=_sc_params,
    scratch_types=[
        pltpu.VMEM((CPW, CHUNK), jnp.int32),
        pltpu.VMEM((CPW, CHUNK), jnp.int32),
        [pltpu.VMEM((CHUNK, D), jnp.float32)] * NBUF,
        [pltpu.SemaphoreType.DMA] * NBUF,
        [pltpu.SemaphoreType.DMA] * NBUF,
        pltpu.VMEM_SHARED((NPAD, D), jnp.float32),
        pltpu.VMEM_SHARED((NPAD, D), jnp.float32),
    ],
)
def _prop(r3_hbm, c3_hbm, hs_hbm, out_hbm, ridx_v, cidx_v, bufs, gsems,
          ssems, acc_sh, table_sh):
    cid = lax.axis_index("c")
    sid = lax.axis_index("s")
    wid = cid * NS + sid

    pltpu.sync_copy(r3_hbm.at[wid], ridx_v)
    pltpu.sync_copy(c3_hbm.at[wid], cidx_v)

    def zfill(i, _):
        bufs[0][i // _LW, pl.ds((i % _LW) * 16, 16)] = jnp.zeros(
            (16,), jnp.float32)
        return 0

    lax.fori_loop(0, CHUNK * _LW, zfill, 0)

    base = sid * RPT
    for k in range(RPT // CHUNK):
        pltpu.sync_copy(bufs[0], acc_sh.at[pl.ds(base + k * CHUNK, CHUNK)])
    pltpu.sync_copy(hs_hbm.at[pl.ds(base, RPT)],
                    table_sh.at[pl.ds(base, RPT)])
    plsc.subcore_barrier()

    for k in range(NBUF):
        pltpu.async_copy(table_sh.at[ridx_v.at[k]], bufs[k], gsems[k])

    def body(i, _):
        jb = NBUF * i
        for k in range(NBUF):
            j = jb + k
            pltpu.make_async_copy(table_sh.at[ridx_v.at[j]], bufs[k],
                                  gsems[k]).wait()
            pltpu.async_copy(bufs[k], acc_sh.at[cidx_v.at[j]], ssems[k],
                             add=True)
        for k in range(NBUF):
            j = jb + k
            pltpu.make_async_copy(bufs[k], acc_sh.at[cidx_v.at[j]],
                                  ssems[k]).wait()

            @pl.when(j + NBUF < CPW)
            def _():
                pltpu.async_copy(table_sh.at[ridx_v.at[j + NBUF]], bufs[k],
                                 gsems[k])
        return 0

    lax.fori_loop(0, CPW // NBUF, body, 0)

    plsc.subcore_barrier()
    pltpu.sync_copy(acc_sh.at[pl.ds(base, RPT)],
                    out_hbm.at[cid, pl.ds(base, RPT)])


def _pack_mask():
    rowio = lax.broadcasted_iota(jnp.int32, (NPK, 128), 0)
    laneio = lax.broadcasted_iota(jnp.int32, (NPK, 128), 1)
    nodev = 2 * rowio + laneio // H
    return jnp.where(nodev < N, 1.0, 0.0).astype(jnp.float32)


def _tc1(x2_ref, w1x_ref, deg_ref, hs1_ref, dinv_ref):
    dpack = lax.rsqrt(deg_ref[0] + deg_ref[1] + 1.0)
    h_p = jnp.dot(x2_ref[...], w1x_ref[...],
                  preferred_element_type=jnp.float32)
    hs1_ref[...] = h_p * dpack
    dinv_ref[...] = dpack


def _tc2(acc_ref, hs1_ref, dinv_ref, g_ref, be_ref, b1_ref, w2x_ref,
         hs2_ref):
    dpack = dinv_ref[...]
    maskf = _pack_mask()
    s = ((acc_ref[0] + acc_ref[1] + hs1_ref[...]) * dpack
         + b1_ref[...]) * maskf
    inv_n = jnp.float32(1.0 / N)
    mu_p = jnp.sum(s, axis=0, keepdims=True) * inv_n
    mu64 = mu_p[:, :H] + mu_p[:, H:]
    mu = jnp.concatenate([mu64, mu64], axis=1)
    v_p = jnp.sum(s * s, axis=0, keepdims=True) * inv_n
    v64 = v_p[:, :H] + v_p[:, H:]
    var = jnp.concatenate([v64, v64], axis=1) - mu * mu
    g = g_ref[...] * (s - mu) * lax.rsqrt(var + 1e-5) + be_ref[...]
    g = jnp.maximum(g, 0.0) * maskf
    h2 = jnp.dot(g, w2x_ref[...], preferred_element_type=jnp.float32)
    hs2_ref[...] = h2 * dpack


def _tc3(acc_ref, hs2_ref, dinv_ref, b2_ref, out_ref):
    npk = N // 2
    out_ref[...] = ((acc_ref[0, :npk] + acc_ref[1, :npk]
                     + hs2_ref[0:npk]) * dinv_ref[0:npk] + b2_ref[...])


def kernel(x, edge_index, W1, b1, gamma1, beta1, W2, b2):
    pad = jnp.full((EPAD - E,), N, dtype=jnp.int32)
    r_p = jnp.concatenate([edge_index[0], pad]).reshape(NW, CPW, CHUNK)
    c_p = jnp.concatenate([edge_index[1], pad]).reshape(NW, CPW, CHUNK)
    x2 = jnp.pad(x, ((0, NPAD - N), (0, 0))).reshape(NPK, 2 * F_IN)
    z = jnp.zeros((F_IN, H), jnp.float32)
    w1x = jnp.concatenate(
        [jnp.concatenate([W1, z], axis=1), jnp.concatenate([z, W1], axis=1)],
        axis=0)
    w2p = jnp.pad(W2, ((0, 0), (0, H - C)))
    z2 = jnp.zeros((H, H), jnp.float32)
    w2x = jnp.concatenate(
        [jnp.concatenate([w2p, z2], axis=1),
         jnp.concatenate([z2, w2p], axis=1)], axis=0)
    b1p = jnp.tile(b1, 2).reshape(1, 2 * H)
    b2p = jnp.tile(jnp.pad(b2, (0, H - C)), 2).reshape(1, 2 * H)
    g1p = jnp.tile(gamma1, 2).reshape(1, 2 * H)
    be1p = jnp.tile(beta1, 2).reshape(1, 2 * H)

    degp = _deg_kernel(c_p)

    hs1_p, dinv_p = pl.pallas_call(
        _tc1,
        out_shape=[jax.ShapeDtypeStruct((NPK, 128), jnp.float32),
                   jax.ShapeDtypeStruct((NPK, 128), jnp.float32)],
    )(x2, w1x, degp)

    acc1 = _prop(r_p, c_p, hs1_p.reshape(NPAD, D))
    acc1v = acc1.reshape(NC, NPK, 128)

    hs2_p = pl.pallas_call(
        _tc2,
        out_shape=jax.ShapeDtypeStruct((NPK, 128), jnp.float32),
    )(acc1v, hs1_p, dinv_p, g1p, be1p, b1p, w2x)

    acc2 = _prop(r_p, c_p, hs2_p.reshape(NPAD, D))
    acc2v = acc2.reshape(NC, NPK, 128)

    out_p = pl.pallas_call(
        _tc3,
        out_shape=jax.ShapeDtypeStruct((N // 2, 128), jnp.float32),
    )(acc2v, hs2_p, dinv_p, b2p)

    return out_p.reshape(N, H)[:, :C]

# --- scband reference (transcript-rebuilt; emitter-appended) ---
"""Pipeline reference for scband-energy-prop-24481313587394 (READ-ONLY COPY).

The authoritative reference and input builder live on the scoring server;
editing this copy changes nothing except your own understanding.
"""

import jax, jax.numpy as jnp
import numpy as np

N = 10000
E = 320000
F_IN = 128
H = 64
C = 40


def setup_inputs(seed: int = 0) -> dict:
    key = jax.random.key(seed)
    ks = jax.random.split(key, 6)
    x = jax.random.normal(ks[0], (N, F_IN), dtype=jnp.float32)
    edge_index = jax.random.randint(ks[1], (2, E), 0, N, dtype=jnp.int32)
    W1 = jax.random.normal(ks[2], (F_IN, H), dtype=jnp.float32) * (1.0 / np.sqrt(F_IN))
    b1 = jnp.zeros((H,), dtype=jnp.float32)
    gamma1 = jnp.ones((H,), dtype=jnp.float32)
    beta1 = jnp.zeros((H,), dtype=jnp.float32)
    W2 = jax.random.normal(ks[3], (H, C), dtype=jnp.float32) * (1.0 / np.sqrt(H))
    b2 = jnp.zeros((C,), dtype=jnp.float32)
    return {"x": x, "edge_index": edge_index, "W1": W1, "b1": b1,
            "gamma1": gamma1, "beta1": beta1, "W2": W2, "b2": b2}


def _gcn_conv(h_in, W, b, row, col):
    # GCNConv with added self-loops and symmetric D^-1/2 (A+I) D^-1/2 normalization
    loop = jnp.arange(N, dtype=row.dtype)
    r = jnp.concatenate([row, loop])
    c = jnp.concatenate([col, loop])
    h = h_in @ W
    deg = jax.ops.segment_sum(jnp.ones_like(c, dtype=h.dtype), c, num_segments=N)
    dinv = jnp.where(deg > 0, 1.0 / jnp.sqrt(deg), 0.0)
    norm = dinv[r] * dinv[c]
    msg = h[r] * norm[:, None]
    out = jax.ops.segment_sum(msg, c, num_segments=N)
    return out + b


def _batchnorm(h, gamma, beta, eps=1e-5):
    mu = jnp.mean(h, axis=0)
    var = jnp.var(h, axis=0)
    return gamma * (h - mu) / jnp.sqrt(var + eps) + beta


def reference(x, edge_index, W1, b1, gamma1, beta1, W2, b2):
    # EnergyProp.forward -> GCN encoder (num_layers=2, use_bn=True, eval-mode dropout) -> logits
    row, col = edge_index[0], edge_index[1]
    h = _gcn_conv(x, W1, b1, row, col)
    h = _batchnorm(h, gamma1, beta1)
    h = jax.nn.relu(h)
    logits = _gcn_conv(h, W2, b2, row, col)
    return logits

if __name__ == "__main__":
    import jax
    _d = setup_inputs()
    print(jax.jit(kernel)(*tuple(_d.values())))

</pallas_src>

<mosaic_0001>
#map = affine_map<(d0, d1) -> (0, 0, 0)>
#map1 = affine_map<(d0, d1) -> (0, 0)>
module attributes {stable_mosaic.version = 14 : i64} {
  func.func @_prop(%arg0: i32, %arg1: i32, %arg2: memref<32x80x128xi32, #tpu.memory_space<hbm>>, %arg3: memref<32x80x128xi32, #tpu.memory_space<hbm>>, %arg4: memref<10240x64xf32, #tpu.memory_space<hbm>>, %arg5: memref<2x10240x64xf32, #tpu.memory_space<hbm>>, %arg6: memref<80x128xi32, #tpu.memory_space<vmem>>, %arg7: memref<80x128xi32, #tpu.memory_space<vmem>>, %arg8: memref<128x64xf32, #tpu.memory_space<vmem>>, %arg9: memref<128x64xf32, #tpu.memory_space<vmem>>, %arg10: memref<!tpu.dma_semaphore, #tpu.memory_space<semaphore_mem>>, %arg11: memref<!tpu.dma_semaphore, #tpu.memory_space<semaphore_mem>>, %arg12: memref<!tpu.dma_semaphore, #tpu.memory_space<semaphore_mem>>, %arg13: memref<!tpu.dma_semaphore, #tpu.memory_space<semaphore_mem>>, %arg14: memref<10240x64xf32, #tpu.memory_space<vmem_shared>>, %arg15: memref<10240x64xf32, #tpu.memory_space<vmem_shared>>) attributes {dimension_semantics = [#tpu.dimension_semantics<core_parallel>, #tpu.dimension_semantics<subcore_parallel>], iteration_bounds = array<i64: 2, 16>, scalar_prefetch = 0 : i64, scratch_operands = 10 : i64, tpu.core_type = #tpu.core_type<sc_vector_subcore>, window_params = [{transform_indices = #map}, {transform_indices = #map}, {transform_indices = #map1}, {transform_indices = #map}]} {
    %mul3A = arith.constant 16 : i32
    %mul3A_0 = arith.muli %arg0, %mul3A : i32
    %add3A = arith.addi %mul3A_0, %arg1 : i32
    "tpu.region"() ({
      %run_scoped3A = tpu.sem_alloc : memref<!tpu.dma_semaphore, #tpu.memory_space<semaphore_mem>>
      %dma_start3A_40 = arith.constant 0 : i32
      %dma_start3A_41 = arith.constant 0 : i32
      %dma_start3A_42 = tpu.memref_slice %arg2[%add3A, %dma_start3A_40, %dma_start3A_41] : memref<32x80x128xi32, #tpu.memory_space<hbm>> -> memref<1x80x128xi32, #tpu.memory_space<hbm>>
      %dma_start3A_43 = tpu.memref_squeeze %dma_start3A_42 : memref<1x80x128xi32, #tpu.memory_space<hbm>> -> memref<80x128xi32, #tpu.memory_space<hbm>>
      %dma_start3A_44 = arith.constant 0 : i32
      %dma_start3A_45 = arith.constant 0 : i32
      %dma_start3A_46 = tpu.memref_slice %arg2[%add3A, %dma_start3A_44, %dma_start3A_45] : memref<32x80x128xi32, #tpu.memory_space<hbm>> -> memref<1x80x128xi32, #tpu.memory_space<hbm>>
      %dma_start3A_47 = tpu.memref_squeeze %dma_start3A_46 : memref<1x80x128xi32, #tpu.memory_space<hbm>> -> memref<80x128xi32, #tpu.memory_space<hbm>>
      tpu.enqueue_dma source(%dma_start3A_47 : memref<80x128xi32, #tpu.memory_space<hbm>>) target(%arg6 : memref<80x128xi32, #tpu.memory_space<vmem>>) target_semaphore(%run_scoped3A : memref<!tpu.dma_semaphore, #tpu.memory_space<semaphore_mem>>)
      %dma_wait3A = arith.constant 0 : i32
      %dma_wait3A_48 = arith.constant 0 : i32
      %dma_wait3A_49 = tpu.memref_slice %arg2[%add3A, %dma_wait3A, %dma_wait3A_48] : memref<32x80x128xi32, #tpu.memory_space<hbm>> -> memref<1x80x128xi32, #tpu.memory_space<hbm>>
      %dma_wait3A_50 = tpu.memref_squeeze %dma_wait3A_49 : memref<1x80x128xi32, #tpu.memory_space<hbm>> -> memref<80x128xi32, #tpu.memory_space<hbm>>
      %dma_wait3A_51 = arith.constant 0 : i32
      %dma_wait3A_52 = arith.constant 0 : i32
      %dma_wait3A_53 = tpu.memref_slice %arg2[%add3A, %dma_wait3A_51, %dma_wait3A_52] : memref<32x80x128xi32, #tpu.memory_space<hbm>> -> memref<1x80x128xi32, #tpu.memory_space<hbm>>
      %dma_wait3A_54 = tpu.memref_squeeze %dma_wait3A_53 : memref<1x80x128xi32, #tpu.memory_space<hbm>> -> memref<80x128xi32, #tpu.memory_space<hbm>>
      tpu.wait_dma2 semaphore(%run_scoped3A : memref<!tpu.dma_semaphore, #tpu.memory_space<semaphore_mem>>) src(%dma_wait3A_54 : memref<80x128xi32, #tpu.memory_space<hbm>>) dst(%arg6 : memref<80x128xi32, #tpu.memory_space<vmem>>)
      tpu.yield
    }) : () -> ()
    "tpu.region"() ({
      %run_scoped3A = tpu.sem_alloc : memref<!tpu.dma_semaphore, #tpu.memory_space<semaphore_mem>>
      %dma_start3A_40 = arith.constant 0 : i32
      %dma_start3A_41 = arith.constant 0 : i32
      %dma_start3A_42 = tpu.memref_slice %arg3[%add3A, %dma_start3A_40, %dma_start3A_41] : memref<32x80x128xi32, #tpu.memory_space<hbm>> -> memref<1x80x128xi32, #tpu.memory_space<hbm>>
      %dma_start3A_43 = tpu.memref_squeeze %dma_start3A_42 : memref<1x80x128xi32, #tpu.memory_space<hbm>> -> memref<80x128xi32, #tpu.memory_space<hbm>>
      %dma_start3A_44 = arith.constant 0 : i32
      %dma_start3A_45 = arith.constant 0 : i32
      %dma_start3A_46 = tpu.memref_slice %arg3[%add3A, %dma_start3A_44, %dma_start3A_45] : memref<32x80x128xi32, #tpu.memory_space<hbm>> -> memref<1x80x128xi32, #tpu.memory_space<hbm>>
      %dma_start3A_47 = tpu.memref_squeeze %dma_start3A_46 : memref<1x80x128xi32, #tpu.memory_space<hbm>> -> memref<80x128xi32, #tpu.memory_space<hbm>>
      tpu.enqueue_dma source(%dma_start3A_47 : memref<80x128xi32, #tpu.memory_space<hbm>>) target(%arg7 : memref<80x128xi32, #tpu.memory_space<vmem>>) target_semaphore(%run_scoped3A : memref<!tpu.dma_semaphore, #tpu.memory_space<semaphore_mem>>)
      %dma_wait3A = arith.constant 0 : i32
      %dma_wait3A_48 = arith.constant 0 : i32
      %dma_wait3A_49 = tpu.memref_slice %arg3[%add3A, %dma_wait3A, %dma_wait3A_48] : memref<32x80x128xi32, #tpu.memory_space<hbm>> -> memref<1x80x128xi32, #tpu.memory_space<hbm>>
      %dma_wait3A_50 = tpu.memref_squeeze %dma_wait3A_49 : memref<1x80x128xi32, #tpu.memory_space<hbm>> -> memref<80x128xi32, #tpu.memory_space<hbm>>
      %dma_wait3A_51 = arith.constant 0 : i32
      %dma_wait3A_52 = arith.constant 0 : i32
      %dma_wait3A_53 = tpu.memref_slice %arg3[%add3A, %dma_wait3A_51, %dma_wait3A_52] : memref<32x80x128xi32, #tpu.memory_space<hbm>> -> memref<1x80x128xi32, #tpu.memory_space<hbm>>
      %dma_wait3A_54 = tpu.memref_squeeze %dma_wait3A_53 : memref<1x80x128xi32, #tpu.memory_space<hbm>> -> memref<80x128xi32, #tpu.memory_space<hbm>>
      tpu.wait_dma2 semaphore(%run_scoped3A : memref<!tpu.dma_semaphore, #tpu.memory_space<semaphore_mem>>) src(%dma_wait3A_54 : memref<80x128xi32, #tpu.memory_space<hbm>>) dst(%arg7 : memref<80x128xi32, #tpu.memory_space<vmem>>)
      tpu.yield
    }) : () -> ()
    %scan3A = arith.constant 0 : i32
    %scan3A_1 = arith.constant 0 : i32
    %scan3A_2 = arith.constant 512 : i32
    %scan3A_3 = arith.addi %scan3A_1, %scan3A_2 : i32
    %scan3A_4 = arith.constant 1 : i32
    %scan3A_5 = scf.for %scan3A_40 = %scan3A_1 to %scan3A_3 step %scan3A_4 iter_args(%scan3A_41 = %scan3A) -> (i32)  : i32 {
      %broadcast_in_dim3A = arith.constant 0.000000e+00 : f32
      %broadcast_in_dim3A_42 = vector.broadcast %broadcast_in_dim3A : f32 to vector<16xf32>
      %jit3A = arith.constant 4 : i32
      %div3A = arith.divsi %scan3A_40, %jit3A : i32
      %sign3A = arith.constant 0 : i32
      %sign3A_43 = arith.cmpi sgt, %scan3A_40, %sign3A : i32
      %sign3A_44 = arith.extui %sign3A_43 : i1 to i32
      %sign3A_45 = arith.constant 0 : i32
      %sign3A_46 = arith.cmpi slt, %scan3A_40, %sign3A_45 : i32
      %sign3A_47 = arith.extui %sign3A_46 : i1 to i32
      %sign3A_48 = arith.subi %sign3A_44, %sign3A_47 : i32
      %sign3A_49 = arith.constant 0 : i32
      %sign3A_50 = arith.cmpi sgt, %jit3A, %sign3A_49 : i32
      %sign3A_51 = arith.extui %sign3A_50 : i1 to i32
      %sign3A_52 = arith.constant 0 : i32
      %sign3A_53 = arith.cmpi slt, %jit3A, %sign3A_52 : i32
      %sign3A_54 = arith.extui %sign3A_53 : i1 to i32
      %sign3A_55 = arith.subi %sign3A_51, %sign3A_54 : i32
      %ne3A = arith.cmpi ne, %sign3A_48, %sign3A_55 : i32
      %rem3A = arith.remsi %scan3A_40, %jit3A : i32
      %ne3A_56 = arith.constant 0 : i32
      %ne3A_57 = arith.cmpi ne, %rem3A, %ne3A_56 : i32
      %and3A = arith.andi %ne3A, %ne3A_57 : i1
      %sub3A = arith.constant 1 : i32
      %sub3A_58 = arith.subi %div3A, %sub3A : i32
      %select_n3A = arith.select %and3A, %sub3A_58, %div3A : i32
      %jit3A_59 = arith.constant 4 : i32
      %eq3A = arith.constant 0 : i32
      %eq3A_60 = arith.cmpi eq, %jit3A_59, %eq3A : i32
      %jit3A_61 = arith.constant 1 : i32
      %select_n3A_62 = arith.select %eq3A_60, %jit3A_61, %jit3A_59 : i32
      %rem3A_63 = arith.remsi %scan3A_40, %select_n3A_62 : i32
      %ne3A_64 = arith.constant 0 : i32
      %ne3A_65 = arith.cmpi ne, %rem3A_63, %ne3A_64 : i32
      %lt3A = arith.constant 0 : i32
      %lt3A_66 = arith.cmpi slt, %rem3A_63, %lt3A : i32
      %lt3A_67 = arith.constant 0 : i32
      %lt3A_68 = arith.cmpi slt, %select_n3A_62, %lt3A_67 : i32
      %ne3A_69 = arith.xori %lt3A_66, %lt3A_68 : i1
      %and3A_70 = arith.andi %ne3A_69, %ne3A_65 : i1
      %add3A_71 = arith.addi %rem3A_63, %select_n3A_62 : i32
      %select_n3A_72 = arith.select %and3A_70, %add3A_71, %rem3A_63 : i32
      %mul3A_73 = arith.constant 16 : i32
      %mul3A_74 = arith.muli %select_n3A_72, %mul3A_73 : i32
      %swap3A = arith.index_cast %select_n3A : i32 to index
      %swap3A_75 = arith.index_cast %mul3A_74 : i32 to index
      %swap3A_76 = tpu.vector_load %arg8[%swap3A, %swap3A_75] {strides = array<i32>} : memref<128x64xf32, #tpu.memory_space<vmem>>, vector<16xf32>,
      tpu.vector_store %arg8[%swap3A, %swap3A_75], %broadcast_in_dim3A_42 {strides = array<i32>} : memref<128x64xf32, #tpu.memory_space<vmem>>, vector<16xf32>,
      %scan3A_77 = arith.constant 0 : i32
      scf.yield %scan3A_77 : i32
    }
    %scan3A_6 = arith.constant 512 : i32
    %mul3A_7 = arith.constant 640 : i32
    %mul3A_8 = arith.muli %arg1, %mul3A_7 : i32
    %add3A_9 = arith.constant 0 : i32
    %add3A_10 = arith.addi %mul3A_8, %add3A_9 : i32
    "tpu.region"() ({
      %run_scoped3A = tpu.sem_alloc : memref<!tpu.dma_semaphore, #tpu.memory_space<semaphore_mem>>
      %dma_start3A_40 = arith.constant 0 : i32
      %dma_start3A_41 = tpu.memref_slice %arg14[%add3A_10, %dma_start3A_40] : memref<10240x64xf32, #tpu.memory_space<vmem_shared>> -> memref<128x64xf32, #tpu.memory_space<vmem_shared>>
      %dma_start3A_42 = arith.constant 0 : i32
      %dma_start3A_43 = tpu.memref_slice %arg14[%add3A_10, %dma_start3A_42] : memref<10240x64xf32, #tpu.memory_space<vmem_shared>> -> memref<128x64xf32, #tpu.memory_space<vmem_shared>>
      tpu.enqueue_dma source(%arg8 : memref<128x64xf32, #tpu.memory_space<vmem>>) target(%dma_start3A_43 : memref<128x64xf32, #tpu.memory_space<vmem_shared>>) target_semaphore(%run_scoped3A : memref<!tpu.dma_semaphore, #tpu.memory_space<semaphore_mem>>)
      %dma_wait3A = arith.constant 0 : i32
      %dma_wait3A_44 = tpu.memref_slice %arg14[%add3A_10, %dma_wait3A] : memref<10240x64xf32, #tpu.memory_space<vmem_shared>> -> memref<128x64xf32, #tpu.memory_space<vmem_shared>>
      %dma_wait3A_45 = arith.constant 0 : i32
      %dma_wait3A_46 = tpu.memref_slice %arg14[%add3A_10, %dma_wait3A_45] : memref<10240x64xf32, #tpu.memory_space<vmem_shared>> -> memref<128x64xf32, #tpu.memory_space<vmem_shared>>
      tpu.wait_dma2 semaphore(%run_scoped3A : memref<!tpu.dma_semaphore, #tpu.memory_space<semaphore_mem>>) src(%arg8 : memref<128x64xf32, #tpu.memory_space<vmem>>) dst(%dma_wait3A_46 : memref<128x64xf32, #tpu.memory_space<vmem_shared>>)
      tpu.yield
    }) : () -> ()
    %add3A_11 = arith.constant 128 : i32
    %add3A_12 = arith.addi %mul3A_8, %add3A_11 : i32
    "tpu.region"() ({
      %run_scoped3A = tpu.sem_alloc : memref<!tpu.dma_semaphore, #tpu.memory_space<semaphore_mem>>
      %dma_start3A_40 = arith.constant 0 : i32
      %dma_start3A_41 = tpu.memref_slice %arg14[%add3A_12, %dma_start3A_40] : memref<10240x64xf32, #tpu.memory_space<vmem_shared>> -> memref<128x64xf32, #tpu.memory_space<vmem_shared>>
      %dma_start3A_42 = arith.constant 0 : i32
      %dma_start3A_43 = tpu.memref_slice %arg14[%add3A_12, %dma_start3A_42] : memref<10240x64xf32, #tpu.memory_space<vmem_shared>> -> memref<128x64xf32, #tpu.memory_space<vmem_shared>>
      tpu.enqueue_dma source(%arg8 : memref<128x64xf32, #tpu.memory_space<vmem>>) target(%dma_start3A_43 : memref<128x64xf32, #tpu.memory_space<vmem_shared>>) target_semaphore(%run_scoped3A : memref<!tpu.dma_semaphore, #tpu.memory_space<semaphore_mem>>)
      %dma_wait3A = arith.constant 0 : i32
      %dma_wait3A_44 = tpu.memref_slice %arg14[%add3A_12, %dma_wait3A] : memref<10240x64xf32, #tpu.memory_space<vmem_shared>> -> memref<128x64xf32, #tpu.memory_space<vmem_shared>>
      %dma_wait3A_45 = arith.constant 0 : i32
      %dma_wait3A_46 = tpu.memref_slice %arg14[%add3A_12, %dma_wait3A_45] : memref<10240x64xf32, #tpu.memory_space<vmem_shared>> -> memref<128x64xf32, #tpu.memory_space<vmem_shared>>
      tpu.wait_dma2 semaphore(%run_scoped3A : memref<!tpu.dma_semaphore, #tpu.memory_space<semaphore_mem>>) src(%arg8 : memref<128x64xf32, #tpu.memory_space<vmem>>) dst(%dma_wait3A_46 : memref<128x64xf32, #tpu.memory_space<vmem_shared>>)
      tpu.yield
    }) : () -> ()
    %add3A_13 = arith.constant 256 : i32
    %add3A_14 = arith.addi %mul3A_8, %add3A_13 : i32
    "tpu.region"() ({
      %run_scoped3A = tpu.sem_alloc : memref<!tpu.dma_semaphore, #tpu.memory_space<semaphore_mem>>
      %dma_start3A_40 = arith.constant 0 : i32
      %dma_start3A_41 = tpu.memref_slice %arg14[%add3A_14, %dma_start3A_40] : memref<10240x64xf32, #tpu.memory_space<vmem_shared>> -> memref<128x64xf32, #tpu.memory_space<vmem_shared>>
      %dma_start3A_42 = arith.constant 0 : i32
      %dma_start3A_43 = tpu.memref_slice %arg14[%add3A_14, %dma_start3A_42] : memref<10240x64xf32, #tpu.memory_space<vmem_shared>> -> memref<128x64xf32, #tpu.memory_space<vmem_shared>>
      tpu.enqueue_dma source(%arg8 : memref<128x64xf32, #tpu.memory_space<vmem>>) target(%dma_start3A_43 : memref<128x64xf32, #tpu.memory_space<vmem_shared>>) target_semaphore(%run_scoped3A : memref<!tpu.dma_semaphore, #tpu.memory_space<semaphore_mem>>)
      %dma_wait3A = arith.constant 0 : i32
      %dma_wait3A_44 = tpu.memref_slice %arg14[%add3A_14, %dma_wait3A] : memref<10240x64xf32, #tpu.memory_space<vmem_shared>> -> memref<128x64xf32, #tpu.memory_space<vmem_shared>>
      %dma_wait3A_45 = arith.constant 0 : i32
      %dma_wait3A_46 = tpu.memref_slice %arg14[%add3A_14, %dma_wait3A_45] : memref<10240x64xf32, #tpu.memory_space<vmem_shared>> -> memref<128x64xf32, #tpu.memory_space<vmem_shared>>
      tpu.wait_dma2 semaphore(%run_scoped3A : memref<!tpu.dma_semaphore, #tpu.memory_space<semaphore_mem>>) src(%arg8 : memref<128x64xf32, #tpu.memory_space<vmem>>) dst(%dma_wait3A_46 : memref<128x64xf32, #tpu.memory_space<vmem_shared>>)
      tpu.yield
    }) : () -> ()
    %add3A_15 = arith.constant 384 : i32
    %add3A_16 = arith.addi %mul3A_8, %add3A_15 : i32
    "tpu.region"() ({
      %run_scoped3A = tpu.sem_alloc : memref<!tpu.dma_semaphore, #tpu.memory_space<semaphore_mem>>
      %dma_start3A_40 = arith.constant 0 : i32
      %dma_start3A_41 = tpu.memref_slice %arg14[%add3A_16, %dma_start3A_40] : memref<10240x64xf32, #tpu.memory_space<vmem_shared>> -> memref<128x64xf32, #tpu.memory_space<vmem_shared>>
      %dma_start3A_42 = arith.constant 0 : i32
      %dma_start3A_43 = tpu.memref_slice %arg14[%add3A_16, %dma_start3A_42] : memref<10240x64xf32, #tpu.memory_space<vmem_shared>> -> memref<128x64xf32, #tpu.memory_space<vmem_shared>>
      tpu.enqueue_dma source(%arg8 : memref<128x64xf32, #tpu.memory_space<vmem>>) target(%dma_start3A_43 : memref<128x64xf32, #tpu.memory_space<vmem_shared>>) target_semaphore(%run_scoped3A : memref<!tpu.dma_semaphore, #tpu.memory_space<semaphore_mem>>)
      %dma_wait3A = arith.constant 0 : i32
      %dma_wait3A_44 = tpu.memref_slice %arg14[%add3A_16, %dma_wait3A] : memref<10240x64xf32, #tpu.memory_space<vmem_shared>> -> memref<128x64xf32, #tpu.memory_space<vmem_shared>>
      %dma_wait3A_45 = arith.constant 0 : i32
      %dma_wait3A_46 = tpu.memref_slice %arg14[%add3A_16, %dma_wait3A_45] : memref<10240x64xf32, #tpu.memory_space<vmem_shared>> -> memref<128x64xf32, #tpu.memory_space<vmem_shared>>
      tpu.wait_dma2 semaphore(%run_scoped3A : memref<!tpu.dma_semaphore, #tpu.memory_space<semaphore_mem>>) src(%arg8 : memref<128x64xf32, #tpu.memory_space<vmem>>) dst(%dma_wait3A_46 : memref<128x64xf32, #tpu.memory_space<vmem_shared>>)
      tpu.yield
    }) : () -> ()
    %add3A_17 = arith.constant 512 : i32
    %add3A_18 = arith.addi %mul3A_8, %add3A_17 : i32
    "tpu.region"() ({
      %run_scoped3A = tpu.sem_alloc : memref<!tpu.dma_semaphore, #tpu.memory_space<semaphore_mem>>
      %dma_start3A_40 = arith.constant 0 : i32
      %dma_start3A_41 = tpu.memref_slice %arg14[%add3A_18, %dma_start3A_40] : memref<10240x64xf32, #tpu.memory_space<vmem_shared>> -> memref<128x64xf32, #tpu.memory_space<vmem_shared>>
      %dma_start3A_42 = arith.constant 0 : i32
      %dma_start3A_43 = tpu.memref_slice %arg14[%add3A_18, %dma_start3A_42] : memref<10240x64xf32, #tpu.memory_space<vmem_shared>> -> memref<128x64xf32, #tpu.memory_space<vmem_shared>>
      tpu.enqueue_dma source(%arg8 : memref<128x64xf32, #tpu.memory_space<vmem>>) target(%dma_start3A_43 : memref<128x64xf32, #tpu.memory_space<vmem_shared>>) target_semaphore(%run_scoped3A : memref<!tpu.dma_semaphore, #tpu.memory_space<semaphore_mem>>)
      %dma_wait3A = arith.constant 0 : i32
      %dma_wait3A_44 = tpu.memref_slice %arg14[%add3A_18, %dma_wait3A] : memref<10240x64xf32, #tpu.memory_space<vmem_shared>> -> memref<128x64xf32, #tpu.memory_space<vmem_shared>>
      %dma_wait3A_45 = arith.constant 0 : i32
      %dma_wait3A_46 = tpu.memref_slice %arg14[%add3A_18, %dma_wait3A_45] : memref<10240x64xf32, #tpu.memory_space<vmem_shared>> -> memref<128x64xf32, #tpu.memory_space<vmem_shared>>
      tpu.wait_dma2 semaphore(%run_scoped3A : memref<!tpu.dma_semaphore, #tpu.memory_space<semaphore_mem>>) src(%arg8 : memref<128x64xf32, #tpu.memory_space<vmem>>) dst(%dma_wait3A_46 : memref<128x64xf32, #tpu.memory_space<vmem_shared>>)
      tpu.yield
    }) : () -> ()
    "tpu.region"() ({
      %run_scoped3A = tpu.sem_alloc : memref<!tpu.dma_semaphore, #tpu.memory_space<semaphore_mem>>
      %dma_start3A_40 = arith.constant 0 : i32
      %dma_start3A_41 = tpu.memref_slice %arg15[%mul3A_8, %dma_start3A_40] : memref<10240x64xf32, #tpu.memory_space<vmem_shared>> -> memref<640x64xf32, #tpu.memory_space<vmem_shared>>
      %dma_start3A_42 = arith.constant 0 : i32
      %dma_start3A_43 = tpu.memref_slice %arg4[%mul3A_8, %dma_start3A_42] : memref<10240x64xf32, #tpu.memory_space<hbm>> -> memref<640x64xf32, #tpu.memory_space<hbm>>
      tpu.enqueue_dma source(%dma_start3A_43 : memref<640x64xf32, #tpu.memory_space<hbm>>) target(%dma_start3A_41 : memref<640x64xf32, #tpu.memory_space<vmem_shared>>) target_semaphore(%run_scoped3A : memref<!tpu.dma_semaphore, #tpu.memory_space<semaphore_mem>>)
      %dma_wait3A = arith.constant 0 : i32
      %dma_wait3A_44 = tpu.memref_slice %arg15[%mul3A_8, %dma_wait3A] : memref<10240x64xf32, #tpu.memory_space<vmem_shared>> -> memref<640x64xf32, #tpu.memory_space<vmem_shared>>
      %dma_wait3A_45 = arith.constant 0 : i32
      %dma_wait3A_46 = tpu.memref_slice %arg4[%mul3A_8, %dma_wait3A_45] : memref<10240x64xf32, #tpu.memory_space<hbm>> -> memref<640x64xf32, #tpu.memory_space<hbm>>
      tpu.wait_dma2 semaphore(%run_scoped3A : memref<!tpu.dma_semaphore, #tpu.memory_space<semaphore_mem>>) src(%dma_wait3A_46 : memref<640x64xf32, #tpu.memory_space<hbm>>) dst(%dma_wait3A_44 : memref<640x64xf32, #tpu.memory_space<vmem_shared>>)
      tpu.yield
    }) : () -> ()
    %barrier3A = arith.constant 0 : index
    tpu.barrier barrier_id(%barrier3A)
    %dma_start3A = arith.constant 0 : i32
    %dma_start3A_19 = arith.constant 0 : i32
    %dma_start3A_20 = tpu.memref_slice %arg6[%dma_start3A, %dma_start3A_19] : memref<80x128xi32, #tpu.memory_space<vmem>> -> memref<1x128xi32, #tpu.memory_space<vmem>>
    %dma_start3A_21 = tpu.memref_squeeze %dma_start3A_20 : memref<1x128xi32, #tpu.memory_space<vmem>> -> memref<128xi32, #tpu.memory_space<vmem>>
    %dma_start3A_22 = arith.constant 0 : i32
    %dma_start3A_23 = arith.constant 0 : i32
    %dma_start3A_24 = tpu.memref_slice %arg15[%dma_start3A_22, %dma_start3A_23] : memref<10240x64xf32, #tpu.memory_space<vmem_shared>> -> memref<10240x64xf32, #tpu.memory_space<vmem_shared>>
    tpu.enqueue_indirect_dma source(%dma_start3A_24 : memref<10240x64xf32, #tpu.memory_space<vmem_shared>>) target(%arg8 : memref<128x64xf32, #tpu.memory_space<vmem>>) offsets(%dma_start3A_21 : memref<128xi32, #tpu.memory_space<vmem>>) semaphore(%arg10 : memref<!tpu.dma_semaphore, #tpu.memory_space<semaphore_mem>>)
    %dma_start3A_25 = arith.constant 1 : i32
    %dma_start3A_26 = arith.constant 0 : i32
    %dma_start3A_27 = tpu.memref_slice %arg6[%dma_start3A_25, %dma_start3A_26] : memref<80x128xi32, #tpu.memory_space<vmem>> -> memref<1x128xi32, #tpu.memory_space<vmem>>
    %dma_start3A_28 = tpu.memref_squeeze %dma_start3A_27 : memref<1x128xi32, #tpu.memory_space<vmem>> -> memref<128xi32, #tpu.memory_space<vmem>>
    %dma_start3A_29 = arith.constant 0 : i32
    %dma_start3A_30 = arith.constant 0 : i32
    %dma_start3A_31 = tpu.memref_slice %arg15[%dma_start3A_29, %dma_start3A_30] : memref<10240x64xf32, #tpu.memory_space<vmem_shared>> -> memref<10240x64xf32, #tpu.memory_space<vmem_shared>>
    tpu.enqueue_indirect_dma source(%dma_start3A_31 : memref<10240x64xf32, #tpu.memory_space<vmem_shared>>) target(%arg9 : memref<128x64xf32, #tpu.memory_space<vmem>>) offsets(%dma_start3A_28 : memref<128xi32, #tpu.memory_space<vmem>>) semaphore(%arg11 : memref<!tpu.dma_semaphore, #tpu.memory_space<semaphore_mem>>)
    %scan3A_32 = arith.constant 0 : i32
    %scan3A_33 = arith.constant 0 : i32
    %scan3A_34 = arith.constant 40 : i32
    %scan3A_35 = arith.addi %scan3A_33, %scan3A_34 : i32
    %scan3A_36 = arith.constant 1 : i32
    %scan3A_37 = scf.for %scan3A_40 = %scan3A_33 to %scan3A_35 step %scan3A_36 iter_args(%scan3A_41 = %scan3A_32) -> (i32)  : i32 {
      %mul3A_42 = arith.constant 2 : i32
      %mul3A_43 = arith.muli %mul3A_42, %scan3A_40 : i32
      %add3A_44 = arith.constant 0 : i32
      %add3A_45 = arith.addi %mul3A_43, %add3A_44 : i32
      %dma_wait3A = arith.constant 0 : i32
      %dma_wait3A_46 = tpu.memref_slice %arg6[%add3A_45, %dma_wait3A] : memref<80x128xi32, #tpu.memory_space<vmem>> -> memref<1x128xi32, #tpu.memory_space<vmem>>
      %dma_wait3A_47 = tpu.memref_squeeze %dma_wait3A_46 : memref<1x128xi32, #tpu.memory_space<vmem>> -> memref<128xi32, #tpu.memory_space<vmem>>
      %dma_wait3A_48 = arith.constant 0 : i32
      %dma_wait3A_49 = arith.constant 0 : i32
      %dma_wait3A_50 = tpu.memref_slice %arg15[%dma_wait3A_48, %dma_wait3A_49] : memref<10240x64xf32, #tpu.memory_space<vmem_shared>> -> memref<10240x64xf32, #tpu.memory_space<vmem_shared>>
      tpu.wait_indirect_dma semaphore(%arg10 : memref<!tpu.dma_semaphore, #tpu.memory_space<semaphore_mem>>) src(%dma_wait3A_50 : memref<10240x64xf32, #tpu.memory_space<vmem_shared>>) dst(%arg8 : memref<128x64xf32, #tpu.memory_space<vmem>>)
      %dma_start3A_51 = arith.constant 0 : i32
      %dma_start3A_52 = tpu.memref_slice %arg7[%add3A_45, %dma_start3A_51] : memref<80x128xi32, #tpu.memory_space<vmem>> -> memref<1x128xi32, #tpu.memory_space<vmem>>
      %dma_start3A_53 = tpu.memref_squeeze %dma_start3A_52 : memref<1x128xi32, #tpu.memory_space<vmem>> -> memref<128xi32, #tpu.memory_space<vmem>>
      %dma_start3A_54 = arith.constant 0 : i32
      %dma_start3A_55 = arith.constant 0 : i32
      %dma_start3A_56 = tpu.memref_slice %arg14[%dma_start3A_54, %dma_start3A_55] : memref<10240x64xf32, #tpu.memory_space<vmem_shared>> -> memref<10240x64xf32, #tpu.memory_space<vmem_shared>>
      tpu.enqueue_indirect_dma source(%arg8 : memref<128x64xf32, #tpu.memory_space<vmem>>) target(%dma_start3A_56 : memref<10240x64xf32, #tpu.memory_space<vmem_shared>>) offsets(%dma_start3A_53 : memref<128xi32, #tpu.memory_space<vmem>>) semaphore(%arg12 : memref<!tpu.dma_semaphore, #tpu.memory_space<semaphore_mem>>) {add = true}
      %add3A_57 = arith.constant 1 : i32
      %add3A_58 = arith.addi %mul3A_43, %add3A_57 : i32
      %dma_wait3A_59 = arith.constant 0 : i32
      %dma_wait3A_60 = tpu.memref_slice %arg6[%add3A_58, %dma_wait3A_59] : memref<80x128xi32, #tpu.memory_space<vmem>> -> memref<1x128xi32, #tpu.memory_space<vmem>>
      %dma_wait3A_61 = tpu.memref_squeeze %dma_wait3A_60 : memref<1x128xi32, #tpu.memory_space<vmem>> -> memref<128xi32, #tpu.memory_space<vmem>>
      %dma_wait3A_62 = arith.constant 0 : i32
      %dma_wait3A_63 = arith.constant 0 : i32
      %dma_wait3A_64 = tpu.memref_slice %arg15[%dma_wait3A_62, %dma_wait3A_63] : memref<10240x64xf32, #tpu.memory_space<vmem_shared>> -> memref<10240x64xf32, #tpu.memory_space<vmem_shared>>
      tpu.wait_indirect_dma semaphore(%arg11 : memref<!tpu.dma_semaphore, #tpu.memory_space<semaphore_mem>>) src(%dma_wait3A_64 : memref<10240x64xf32, #tpu.memory_space<vmem_shared>>) dst(%arg9 : memref<128x64xf32, #tpu.memory_space<vmem>>)
      %dma_start3A_65 = arith.constant 0 : i32
      %dma_start3A_66 = tpu.memref_slice %arg7[%add3A_58, %dma_start3A_65] : memref<80x128xi32, #tpu.memory_space<vmem>> -> memref<1x128xi32, #tpu.memory_space<vmem>>
      %dma_start3A_67 = tpu.memref_squeeze %dma_start3A_66 : memref<1x128xi32, #tpu.memory_space<vmem>> -> memref<128xi32, #tpu.memory_space<vmem>>
      %dma_start3A_68 = arith.constant 0 : i32
      %dma_start3A_69 = arith.constant 0 : i32
      %dma_start3A_70 = tpu.memref_slice %arg14[%dma_start3A_68, %dma_start3A_69] : memref<10240x64xf32, #tpu.memory_space<vmem_shared>> -> memref<10240x64xf32, #tpu.memory_space<vmem_shared>>
      tpu.enqueue_indirect_dma source(%arg9 : memref<128x64xf32, #tpu.memory_space<vmem>>) target(%dma_start3A_70 : memref<10240x64xf32, #tpu.memory_space<vmem_shared>>) offsets(%dma_start3A_67 : memref<128xi32, #tpu.memory_space<vmem>>) semaphore(%arg13 : memref<!tpu.dma_semaphore, #tpu.memory_space<semaphore_mem>>) {add = true}
      %add3A_71 = arith.constant 0 : i32
      %add3A_72 = arith.addi %mul3A_43, %add3A_71 : i32
      %dma_wait3A_73 = arith.constant 0 : i32
      %dma_wait3A_74 = tpu.memref_slice %arg7[%add3A_72, %dma_wait3A_73] : memref<80x128xi32, #tpu.memory_space<vmem>> -> memref<1x128xi32, #tpu.memory_space<vmem>>
      %dma_wait3A_75 = tpu.memref_squeeze %dma_wait3A_74 : memref<1x128xi32, #tpu.memory_space<vmem>> -> memref<128xi32, #tpu.memory_space<vmem>>
      %dma_wait3A_76 = arith.constant 0 : i32
      %dma_wait3A_77 = arith.constant 0 : i32
      %dma_wait3A_78 = tpu.memref_slice %arg14[%dma_wait3A_76, %dma_wait3A_77] : memref<10240x64xf32, #tpu.memory_space<vmem_shared>> -> memref<10240x64xf32, #tpu.memory_space<vmem_shared>>
      tpu.wait_indirect_dma semaphore(%arg12 : memref<!tpu.dma_semaphore, #tpu.memory_space<semaphore_mem>>) src(%arg8 : memref<128x64xf32, #tpu.memory_space<vmem>>) dst(%dma_wait3A_78 : memref<10240x64xf32, #tpu.memory_space<vmem_shared>>)
      %add3A_79 = arith.constant 2 : i32
      %add3A_80 = arith.addi %add3A_72, %add3A_79 : i32
      %lt3A = arith.constant 80 : i32
      %lt3A_81 = arith.cmpi slt, %add3A_80, %lt3A : i32
      %convert_element_type3A = arith.extui %lt3A_81 : i1 to i32
      %cond3A = arith.constant 0 : i32
      %cond3A_82 = arith.cmpi ne, %convert_element_type3A, %cond3A : i32
      scf.if %cond3A_82 {
        %add3A_99 = arith.constant 2 : i32
        %add3A_100 = arith.addi %add3A_72, %add3A_99 : i32
        %dma_start3A_101 = arith.constant 0 : i32
        %dma_start3A_102 = tpu.memref_slice %arg6[%add3A_100, %dma_start3A_101] : memref<80x128xi32, #tpu.memory_space<vmem>> -> memref<1x128xi32, #tpu.memory_space<vmem>>
        %dma_start3A_103 = tpu.memref_squeeze %dma_start3A_102 : memref<1x128xi32, #tpu.memory_space<vmem>> -> memref<128xi32, #tpu.memory_space<vmem>>
        %dma_start3A_104 = arith.constant 0 : i32
        %dma_start3A_105 = arith.constant 0 : i32
        %dma_start3A_106 = tpu.memref_slice %arg15[%dma_start3A_104, %dma_start3A_105] : memref<10240x64xf32, #tpu.memory_space<vmem_shared>> -> memref<10240x64xf32, #tpu.memory_space<vmem_shared>>
        tpu.enqueue_indirect_dma source(%dma_start3A_106 : memref<10240x64xf32, #tpu.memory_space<vmem_shared>>) target(%arg8 : memref<128x64xf32, #tpu.memory_space<vmem>>) offsets(%dma_start3A_103 : memref<128xi32, #tpu.memory_space<vmem>>) semaphore(%arg10 : memref<!tpu.dma_semaphore, #tpu.memory_space<semaphore_mem>>)
      } else {
      }
      %add3A_83 = arith.constant 1 : i32
      %add3A_84 = arith.addi %mul3A_43, %add3A_83 : i32
      %dma_wait3A_85 = arith.constant 0 : i32
      %dma_wait3A_86 = tpu.memref_slice %arg7[%add3A_84, %dma_wait3A_85] : memref<80x128xi32, #tpu.memory_space<vmem>> -> memref<1x128xi32, #tpu.memory_space<vmem>>
      %dma_wait3A_87 = tpu.memref_squeeze %dma_wait3A_86 : memref<1x128xi32, #tpu.memory_space<vmem>> -> memref<128xi32, #tpu.memory_space<vmem>>
      %dma_wait3A_88 = arith.constant 0 : i32
      %dma_wait3A_89 = arith.constant 0 : i32
      %dma_wait3A_90 = tpu.memref_slice %arg14[%dma_wait3A_88, %dma_wait3A_89] : memref<10240x64xf32, #tpu.memory_space<vmem_shared>> -> memref<10240x64xf32, #tpu.memory_space<vmem_shared>>
      tpu.wait_indirect_dma semaphore(%arg13 : memref<!tpu.dma_semaphore, #tpu.memory_space<semaphore_mem>>) src(%arg9 : memref<128x64xf32, #tpu.memory_space<vmem>>) dst(%dma_wait3A_90 : memref<10240x64xf32, #tpu.memory_space<vmem_shared>>)
      %add3A_91 = arith.constant 2 : i32
      %add3A_92 = arith.addi %add3A_84, %add3A_91 : i32
      %lt3A_93 = arith.constant 80 : i32
      %lt3A_94 = arith.cmpi slt, %add3A_92, %lt3A_93 : i32
      %convert_element_type3A_95 = arith.extui %lt3A_94 : i1 to i32
      %cond3A_96 = arith.constant 0 : i32
      %cond3A_97 = arith.cmpi ne, %convert_element_type3A_95, %cond3A_96 : i32
      scf.if %cond3A_97 {
        %add3A_99 = arith.constant 2 : i32
        %add3A_100 = arith.addi %add3A_84, %add3A_99 : i32
        %dma_start3A_101 = arith.constant 0 : i32
        %dma_start3A_102 = tpu.memref_slice %arg6[%add3A_100, %dma_start3A_101] : memref<80x128xi32, #tpu.memory_space<vmem>> -> memref<1x128xi32, #tpu.memory_space<vmem>>
        %dma_start3A_103 = tpu.memref_squeeze %dma_start3A_102 : memref<1x128xi32, #tpu.memory_space<vmem>> -> memref<128xi32, #tpu.memory_space<vmem>>
        %dma_start3A_104 = arith.constant 0 : i32
        %dma_start3A_105 = arith.constant 0 : i32
        %dma_start3A_106 = tpu.memref_slice %arg15[%dma_start3A_104, %dma_start3A_105] : memref<10240x64xf32, #tpu.memory_space<vmem_shared>> -> memref<10240x64xf32, #tpu.memory_space<vmem_shared>>
        tpu.enqueue_indirect_dma source(%dma_start3A_106 : memref<10240x64xf32, #tpu.memory_space<vmem_shared>>) target(%arg9 : memref<128x64xf32, #tpu.memory_space<vmem>>) offsets(%dma_start3A_103 : memref<128xi32, #tpu.memory_space<vmem>>) semaphore(%arg11 : memref<!tpu.dma_semaphore, #tpu.memory_space<semaphore_mem>>)
      } else {
      }
      %scan3A_98 = arith.constant 0 : i32
      scf.yield %scan3A_98 : i32
    }
    %scan3A_38 = arith.constant 40 : i32
    %barrier3A_39 = arith.constant 0 : index
    tpu.barrier barrier_id(%barrier3A_39)
    "tpu.region"() ({
      %run_scoped3A = tpu.sem_alloc : memref<!tpu.dma_semaphore, #tpu.memory_space<semaphore_mem>>
      %dma_start3A_40 = arith.constant 0 : i32
      %dma_start3A_41 = tpu.memref_slice %arg5[%arg0, %mul3A_8, %dma_start3A_40] : memref<2x10240x64xf32, #tpu.memory_space<hbm>> -> memref<1x640x64xf32, #tpu.memory_space<hbm>>
      %dma_start3A_42 = tpu.memref_squeeze %dma_start3A_41 : memref<1x640x64xf32, #tpu.memory_space<hbm>> -> memref<640x64xf32, #tpu.memory_space<hbm>>
      %dma_start3A_43 = arith.constant 0 : i32
      %dma_start3A_44 = tpu.memref_slice %arg14[%mul3A_8, %dma_start3A_43] : memref<10240x64xf32, #tpu.memory_space<vmem_shared>> -> memref<640x64xf32, #tpu.memory_space<vmem_shared>>
      tpu.enqueue_dma source(%dma_start3A_44 : memref<640x64xf32, #tpu.memory_space<vmem_shared>>) target(%dma_start3A_42 : memref<640x64xf32, #tpu.memory_space<hbm>>) target_semaphore(%run_scoped3A : memref<!tpu.dma_semaphore, #tpu.memory_space<semaphore_mem>>)
      %dma_wait3A = arith.constant 0 : i32
      %dma_wait3A_45 = tpu.memref_slice %arg5[%arg0, %mul3A_8, %dma_wait3A] : memref<2x10240x64xf32, #tpu.memory_space<hbm>> -> memref<1x640x64xf32, #tpu.memory_space<hbm>>
      %dma_wait3A_46 = tpu.memref_squeeze %dma_wait3A_45 : memref<1x640x64xf32, #tpu.memory_space<hbm>> -> memref<640x64xf32, #tpu.memory_space<hbm>>
      %dma_wait3A_47 = arith.constant 0 : i32
      %dma_wait3A_48 = tpu.memref_slice %arg14[%mul3A_8, %dma_wait3A_47] : memref<10240x64xf32, #tpu.memory_space<vmem_shared>> -> memref<640x64xf32, #tpu.memory_space<vmem_shared>>
      tpu.wait_dma2 semaphore(%run_scoped3A : memref<!tpu.dma_semaphore, #tpu.memory_space<semaphore_mem>>) src(%dma_wait3A_48 : memref<640x64xf32, #tpu.memory_space<vmem_shared>>) dst(%dma_wait3A_46 : memref<640x64xf32, #tpu.memory_space<hbm>>)
      tpu.yield
    }) : () -> ()
    return
  }
}

#map = affine_map<(d0, d1) -> (0, 0, 0)>
module attributes {stable_mosaic.version = 14 : i64} {
  func.func @_deg_kernel(%arg0: i32, %arg1: i32, %arg2: memref<32x80x128xi32, #tpu.memory_space<hbm>>, %arg3: memref<2x5120x128xf32, #tpu.memory_space<hbm>>, %arg4: memref<80x128xi32, #tpu.memory_space<vmem>>, %arg5: memref<128xf32, #tpu.memory_space<vmem>>, %arg6: memref<128xf32, #tpu.memory_space<vmem>>, %arg7: memref<640xf32, #tpu.memory_space<vmem>>, %arg8: memref<320x128xf32, #tpu.memory_space<vmem>>, %arg9: memref<10240xf32, #tpu.memory_space<vmem_shared>>) attributes {dimension_semantics = [#tpu.dimension_semantics<core_parallel>, #tpu.dimension_semantics<subcore_parallel>], iteration_bounds = array<i64: 2, 16>, scalar_prefetch = 0 : i64, scratch_operands = 6 : i64, tpu.core_type = #tpu.core_type<sc_vector_subcore>, window_params = [{transform_indices = #map}, {transform_indices = #map}]} {
    %mul3A = arith.constant 16 : i32
    %mul3A_0 = arith.muli %arg0, %mul3A : i32
    %add3A = arith.addi %mul3A_0, %arg1 : i32
    "tpu.region"() ({
      %run_scoped3A = tpu.sem_alloc : memref<!tpu.dma_semaphore, #tpu.memory_space<semaphore_mem>>
      %dma_start3A = arith.constant 0 : i32
      %dma_start3A_36 = arith.constant 0 : i32
      %dma_start3A_37 = tpu.memref_slice %arg2[%add3A, %dma_start3A, %dma_start3A_36] : memref<32x80x128xi32, #tpu.memory_space<hbm>> -> memref<1x80x128xi32, #tpu.memory_space<hbm>>
      %dma_start3A_38 = tpu.memref_squeeze %dma_start3A_37 : memref<1x80x128xi32, #tpu.memory_space<hbm>> -> memref<80x128xi32, #tpu.memory_space<hbm>>
      %dma_start3A_39 = arith.constant 0 : i32
      %dma_start3A_40 = arith.constant 0 : i32
      %dma_start3A_41 = tpu.memref_slice %arg2[%add3A, %dma_start3A_39, %dma_start3A_40] : memref<32x80x128xi32, #tpu.memory_space<hbm>> -> memref<1x80x128xi32, #tpu.memory_space<hbm>>
      %dma_start3A_42 = tpu.memref_squeeze %dma_start3A_41 : memref<1x80x128xi32, #tpu.memory_space<hbm>> -> memref<80x128xi32, #tpu.memory_space<hbm>>
      tpu.enqueue_dma source(%dma_start3A_42 : memref<80x128xi32, #tpu.memory_space<hbm>>) target(%arg4 : memref<80x128xi32, #tpu.memory_space<vmem>>) target_semaphore(%run_scoped3A : memref<!tpu.dma_semaphore, #tpu.memory_space<semaphore_mem>>)
      %dma_wait3A = arith.constant 0 : i32
      %dma_wait3A_43 = arith.constant 0 : i32
      %dma_wait3A_44 = tpu.memref_slice %arg2[%add3A, %dma_wait3A, %dma_wait3A_43] : memref<32x80x128xi32, #tpu.memory_space<hbm>> -> memref<1x80x128xi32, #tpu.memory_space<hbm>>
      %dma_wait3A_45 = tpu.memref_squeeze %dma_wait3A_44 : memref<1x80x128xi32, #tpu.memory_space<hbm>> -> memref<80x128xi32, #tpu.memory_space<hbm>>
      %dma_wait3A_46 = arith.constant 0 : i32
      %dma_wait3A_47 = arith.constant 0 : i32
      %dma_wait3A_48 = tpu.memref_slice %arg2[%add3A, %dma_wait3A_46, %dma_wait3A_47] : memref<32x80x128xi32, #tpu.memory_space<hbm>> -> memref<1x80x128xi32, #tpu.memory_space<hbm>>
      %dma_wait3A_49 = tpu.memref_squeeze %dma_wait3A_48 : memref<1x80x128xi32, #tpu.memory_space<hbm>> -> memref<80x128xi32, #tpu.memory_space<hbm>>
      tpu.wait_dma2 semaphore(%run_scoped3A : memref<!tpu.dma_semaphore, #tpu.memory_space<semaphore_mem>>) src(%dma_wait3A_49 : memref<80x128xi32, #tpu.memory_space<hbm>>) dst(%arg4 : memref<80x128xi32, #tpu.memory_space<vmem>>)
      tpu.yield
    }) : () -> ()
    %scan3A = arith.constant 0 : i32
    %scan3A_1 = arith.constant 0 : i32
    %scan3A_2 = arith.constant 8 : i32
    %scan3A_3 = arith.addi %scan3A_1, %scan3A_2 : i32
    %scan3A_4 = arith.constant 1 : i32
    %scan3A_5 = scf.for %scan3A_36 = %scan3A_1 to %scan3A_3 step %scan3A_4 iter_args(%scan3A_37 = %scan3A) -> (i32)  : i32 {
      %broadcast_in_dim3A = arith.constant 1.000000e+00 : f32
      %broadcast_in_dim3A_38 = vector.broadcast %broadcast_in_dim3A : f32 to vector<16xf32>
      %mul3A_39 = arith.constant 16 : i32
      %mul3A_40 = arith.muli %scan3A_36, %mul3A_39 : i32
      %swap3A = arith.index_cast %mul3A_40 : i32 to index
      %swap3A_41 = tpu.vector_load %arg5[%swap3A] {strides = array<i32>} : memref<128xf32, #tpu.memory_space<vmem>>, vector<16xf32>,
      tpu.vector_store %arg5[%swap3A], %broadcast_in_dim3A_38 {strides = array<i32>} : memref<128xf32, #tpu.memory_space<vmem>>, vector<16xf32>,
      %broadcast_in_dim3A_42 = arith.constant 0.000000e+00 : f32
      %broadcast_in_dim3A_43 = vector.broadcast %broadcast_in_dim3A_42 : f32 to vector<16xf32>
      %mul3A_44 = arith.constant 16 : i32
      %mul3A_45 = arith.muli %scan3A_36, %mul3A_44 : i32
      %swap3A_46 = arith.index_cast %mul3A_45 : i32 to index
      %swap3A_47 = tpu.vector_load %arg6[%swap3A_46] {strides = array<i32>} : memref<128xf32, #tpu.memory_space<vmem>>, vector<16xf32>,
      tpu.vector_store %arg6[%swap3A_46], %broadcast_in_dim3A_43 {strides = array<i32>} : memref<128xf32, #tpu.memory_space<vmem>>, vector<16xf32>,
      %scan3A_48 = arith.constant 0 : i32
      scf.yield %scan3A_48 : i32
    }
    %scan3A_6 = arith.constant 8 : i32
    %mul3A_7 = arith.constant 640 : i32
    %mul3A_8 = arith.muli %arg1, %mul3A_7 : i32
    %add3A_9 = arith.constant 0 : i32
    %add3A_10 = arith.addi %mul3A_8, %add3A_9 : i32
    "tpu.region"() ({
      %run_scoped3A = tpu.sem_alloc : memref<!tpu.dma_semaphore, #tpu.memory_space<semaphore_mem>>
      %dma_start3A = tpu.memref_slice %arg9[%add3A_10] : memref<10240xf32, #tpu.memory_space<vmem_shared>> -> memref<128xf32, #tpu.memory_space<vmem_shared>>
      %dma_start3A_36 = tpu.memref_slice %arg9[%add3A_10] : memref<10240xf32, #tpu.memory_space<vmem_shared>> -> memref<128xf32, #tpu.memory_space<vmem_shared>>
      tpu.enqueue_dma source(%arg6 : memref<128xf32, #tpu.memory_space<vmem>>) target(%dma_start3A_36 : memref<128xf32, #tpu.memory_space<vmem_shared>>) target_semaphore(%run_scoped3A : memref<!tpu.dma_semaphore, #tpu.memory_space<semaphore_mem>>)
      %dma_wait3A = tpu.memref_slice %arg9[%add3A_10] : memref<10240xf32, #tpu.memory_space<vmem_shared>> -> memref<128xf32, #tpu.memory_space<vmem_shared>>
      %dma_wait3A_37 = tpu.memref_slice %arg9[%add3A_10] : memref<10240xf32, #tpu.memory_space<vmem_shared>> -> memref<128xf32, #tpu.memory_space<vmem_shared>>
      tpu.wait_dma2 semaphore(%run_scoped3A : memref<!tpu.dma_semaphore, #tpu.memory_space<semaphore_mem>>) src(%arg6 : memref<128xf32, #tpu.memory_space<vmem>>) dst(%dma_wait3A_37 : memref<128xf32, #tpu.memory_space<vmem_shared>>)
      tpu.yield
    }) : () -> ()
    %add3A_11 = arith.constant 128 : i32
    %add3A_12 = arith.addi %mul3A_8, %add3A_11 : i32
    "tpu.region"() ({
      %run_scoped3A = tpu.sem_alloc : memref<!tpu.dma_semaphore, #tpu.memory_space<semaphore_mem>>
      %dma_start3A = tpu.memref_slice %arg9[%add3A_12] : memref<10240xf32, #tpu.memory_space<vmem_shared>> -> memref<128xf32, #tpu.memory_space<vmem_shared>>
      %dma_start3A_36 = tpu.memref_slice %arg9[%add3A_12] : memref<10240xf32, #tpu.memory_space<vmem_shared>> -> memref<128xf32, #tpu.memory_space<vmem_shared>>
      tpu.enqueue_dma source(%arg6 : memref<128xf32, #tpu.memory_space<vmem>>) target(%dma_start3A_36 : memref<128xf32, #tpu.memory_space<vmem_shared>>) target_semaphore(%run_scoped3A : memref<!tpu.dma_semaphore, #tpu.memory_space<semaphore_mem>>)
      %dma_wait3A = tpu.memref_slice %arg9[%add3A_12] : memref<10240xf32, #tpu.memory_space<vmem_shared>> -> memref<128xf32, #tpu.memory_space<vmem_shared>>
      %dma_wait3A_37 = tpu.memref_slice %arg9[%add3A_12] : memref<10240xf32, #tpu.memory_space<vmem_shared>> -> memref<128xf32, #tpu.memory_space<vmem_shared>>
      tpu.wait_dma2 semaphore(%run_scoped3A : memref<!tpu.dma_semaphore, #tpu.memory_space<semaphore_mem>>) src(%arg6 : memref<128xf32, #tpu.memory_space<vmem>>) dst(%dma_wait3A_37 : memref<128xf32, #tpu.memory_space<vmem_shared>>)
      tpu.yield
    }) : () -> ()
    %add3A_13 = arith.constant 256 : i32
    %add3A_14 = arith.addi %mul3A_8, %add3A_13 : i32
    "tpu.region"() ({
      %run_scoped3A = tpu.sem_alloc : memref<!tpu.dma_semaphore, #tpu.memory_space<semaphore_mem>>
      %dma_start3A = tpu.memref_slice %arg9[%add3A_14] : memref<10240xf32, #tpu.memory_space<vmem_shared>> -> memref<128xf32, #tpu.memory_space<vmem_shared>>
      %dma_start3A_36 = tpu.memref_slice %arg9[%add3A_14] : memref<10240xf32, #tpu.memory_space<vmem_shared>> -> memref<128xf32, #tpu.memory_space<vmem_shared>>
      tpu.enqueue_dma source(%arg6 : memref<128xf32, #tpu.memory_space<vmem>>) target(%dma_start3A_36 : memref<128xf32, #tpu.memory_space<vmem_shared>>) target_semaphore(%run_scoped3A : memref<!tpu.dma_semaphore, #tpu.memory_space<semaphore_mem>>)
      %dma_wait3A = tpu.memref_slice %arg9[%add3A_14] : memref<10240xf32, #tpu.memory_space<vmem_shared>> -> memref<128xf32, #tpu.memory_space<vmem_shared>>
      %dma_wait3A_37 = tpu.memref_slice %arg9[%add3A_14] : memref<10240xf32, #tpu.memory_space<vmem_shared>> -> memref<128xf32, #tpu.memory_space<vmem_shared>>
      tpu.wait_dma2 semaphore(%run_scoped3A : memref<!tpu.dma_semaphore, #tpu.memory_space<semaphore_mem>>) src(%arg6 : memref<128xf32, #tpu.memory_space<vmem>>) dst(%dma_wait3A_37 : memref<128xf32, #tpu.memory_space<vmem_shared>>)
      tpu.yield
    }) : () -> ()
    %add3A_15 = arith.constant 384 : i32
    %add3A_16 = arith.addi %mul3A_8, %add3A_15 : i32
    "tpu.region"() ({
      %run_scoped3A = tpu.sem_alloc : memref<!tpu.dma_semaphore, #tpu.memory_space<semaphore_mem>>
      %dma_start3A = tpu.memref_slice %arg9[%add3A_16] : memref<10240xf32, #tpu.memory_space<vmem_shared>> -> memref<128xf32, #tpu.memory_space<vmem_shared>>
      %dma_start3A_36 = tpu.memref_slice %arg9[%add3A_16] : memref<10240xf32, #tpu.memory_space<vmem_shared>> -> memref<128xf32, #tpu.memory_space<vmem_shared>>
      tpu.enqueue_dma source(%arg6 : memref<128xf32, #tpu.memory_space<vmem>>) target(%dma_start3A_36 : memref<128xf32, #tpu.memory_space<vmem_shared>>) target_semaphore(%run_scoped3A : memref<!tpu.dma_semaphore, #tpu.memory_space<semaphore_mem>>)
      %dma_wait3A = tpu.memref_slice %arg9[%add3A_16] : memref<10240xf32, #tpu.memory_space<vmem_shared>> -> memref<128xf32, #tpu.memory_space<vmem_shared>>
      %dma_wait3A_37 = tpu.memref_slice %arg9[%add3A_16] : memref<10240xf32, #tpu.memory_space<vmem_shared>> -> memref<128xf32, #tpu.memory_space<vmem_shared>>
      tpu.wait_dma2 semaphore(%run_scoped3A : memref<!tpu.dma_semaphore, #tpu.memory_space<semaphore_mem>>) src(%arg6 : memref<128xf32, #tpu.memory_space<vmem>>) dst(%dma_wait3A_37 : memref<128xf32, #tpu.memory_space<vmem_shared>>)
      tpu.yield
    }) : () -> ()
    %add3A_17 = arith.constant 512 : i32
    %add3A_18 = arith.addi %mul3A_8, %add3A_17 : i32
    "tpu.region"() ({
      %run_scoped3A = tpu.sem_alloc : memref<!tpu.dma_semaphore, #tpu.memory_space<semaphore_mem>>
      %dma_start3A = tpu.memref_slice %arg9[%add3A_18] : memref<10240xf32, #tpu.memory_space<vmem_shared>> -> memref<128xf32, #tpu.memory_space<vmem_shared>>
      %dma_start3A_36 = tpu.memref_slice %arg9[%add3A_18] : memref<10240xf32, #tpu.memory_space<vmem_shared>> -> memref<128xf32, #tpu.memory_space<vmem_shared>>
      tpu.enqueue_dma source(%arg6 : memref<128xf32, #tpu.memory_space<vmem>>) target(%dma_start3A_36 : memref<128xf32, #tpu.memory_space<vmem_shared>>) target_semaphore(%run_scoped3A : memref<!tpu.dma_semaphore, #tpu.memory_space<semaphore_mem>>)
      %dma_wait3A = tpu.memref_slice %arg9[%add3A_18] : memref<10240xf32, #tpu.memory_space<vmem_shared>> -> memref<128xf32, #tpu.memory_space<vmem_shared>>
      %dma_wait3A_37 = tpu.memref_slice %arg9[%add3A_18] : memref<10240xf32, #tpu.memory_space<vmem_shared>> -> memref<128xf32, #tpu.memory_space<vmem_shared>>
      tpu.wait_dma2 semaphore(%run_scoped3A : memref<!tpu.dma_semaphore, #tpu.memory_space<semaphore_mem>>) src(%arg6 : memref<128xf32, #tpu.memory_space<vmem>>) dst(%dma_wait3A_37 : memref<128xf32, #tpu.memory_space<vmem_shared>>)
      tpu.yield
    }) : () -> ()
    %barrier3A = arith.constant 0 : index
    tpu.barrier barrier_id(%barrier3A)
    %scan3A_19 = arith.constant 0 : i32
    %scan3A_20 = arith.constant 0 : i32
    %scan3A_21 = arith.constant 80 : i32
    %scan3A_22 = arith.addi %scan3A_20, %scan3A_21 : i32
    %scan3A_23 = arith.constant 1 : i32
    %scan3A_24 = scf.for %scan3A_36 = %scan3A_20 to %scan3A_22 step %scan3A_23 iter_args(%scan3A_37 = %scan3A_19) -> (i32)  : i32 {
      "tpu.region"() ({
        %run_scoped3A = tpu.sem_alloc : memref<!tpu.dma_semaphore, #tpu.memory_space<semaphore_mem>>
        %dma_start3A = arith.constant 0 : i32
        %dma_start3A_39 = tpu.memref_slice %arg4[%scan3A_36, %dma_start3A] : memref<80x128xi32, #tpu.memory_space<vmem>> -> memref<1x128xi32, #tpu.memory_space<vmem>>
        %dma_start3A_40 = tpu.memref_squeeze %dma_start3A_39 : memref<1x128xi32, #tpu.memory_space<vmem>> -> memref<128xi32, #tpu.memory_space<vmem>>
        %dma_start3A_41 = arith.constant 0 : i32
        %dma_start3A_42 = tpu.memref_slice %arg9[%dma_start3A_41] : memref<10240xf32, #tpu.memory_space<vmem_shared>> -> memref<10240xf32, #tpu.memory_space<vmem_shared>>
        tpu.enqueue_indirect_dma source(%arg5 : memref<128xf32, #tpu.memory_space<vmem>>) target(%dma_start3A_42 : memref<10240xf32, #tpu.memory_space<vmem_shared>>) offsets(%dma_start3A_40 : memref<128xi32, #tpu.memory_space<vmem>>) semaphore(%run_scoped3A : memref<!tpu.dma_semaphore, #tpu.memory_space<semaphore_mem>>) {add = true}
        %dma_wait3A = arith.constant 0 : i32
        %dma_wait3A_43 = tpu.memref_slice %arg4[%scan3A_36, %dma_wait3A] : memref<80x128xi32, #tpu.memory_space<vmem>> -> memref<1x128xi32, #tpu.memory_space<vmem>>
        %dma_wait3A_44 = tpu.memref_squeeze %dma_wait3A_43 : memref<1x128xi32, #tpu.memory_space<vmem>> -> memref<128xi32, #tpu.memory_space<vmem>>
        %dma_wait3A_45 = arith.constant 0 : i32
        %dma_wait3A_46 = tpu.memref_slice %arg9[%dma_wait3A_45] : memref<10240xf32, #tpu.memory_space<vmem_shared>> -> memref<10240xf32, #tpu.memory_space<vmem_shared>>
        tpu.wait_indirect_dma semaphore(%run_scoped3A : memref<!tpu.dma_semaphore, #tpu.memory_space<semaphore_mem>>) src(%arg5 : memref<128xf32, #tpu.memory_space<vmem>>) dst(%dma_wait3A_46 : memref<10240xf32, #tpu.memory_space<vmem_shared>>)
        tpu.yield
      }) : () -> ()
      %scan3A_38 = arith.constant 0 : i32
      scf.yield %scan3A_38 : i32
    }
    %scan3A_25 = arith.constant 80 : i32
    %barrier3A_26 = arith.constant 0 : index
    tpu.barrier barrier_id(%barrier3A_26)
    "tpu.region"() ({
      %run_scoped3A = tpu.sem_alloc : memref<!tpu.dma_semaphore, #tpu.memory_space<semaphore_mem>>
      %dma_start3A = tpu.memref_slice %arg9[%mul3A_8] : memref<10240xf32, #tpu.memory_space<vmem_shared>> -> memref<640xf32, #tpu.memory_space<vmem_shared>>
      %dma_start3A_36 = tpu.memref_slice %arg9[%mul3A_8] : memref<10240xf32, #tpu.memory_space<vmem_shared>> -> memref<640xf32, #tpu.memory_space<vmem_shared>>
      tpu.enqueue_dma source(%dma_start3A_36 : memref<640xf32, #tpu.memory_space<vmem_shared>>) target(%arg7 : memref<640xf32, #tpu.memory_space<vmem>>) target_semaphore(%run_scoped3A : memref<!tpu.dma_semaphore, #tpu.memory_space<semaphore_mem>>)
      %dma_wait3A = tpu.memref_slice %arg9[%mul3A_8] : memref<10240xf32, #tpu.memory_space<vmem_shared>> -> memref<640xf32, #tpu.memory_space<vmem_shared>>
      %dma_wait3A_37 = tpu.memref_slice %arg9[%mul3A_8] : memref<10240xf32, #tpu.memory_space<vmem_shared>> -> memref<640xf32, #tpu.memory_space<vmem_shared>>
      tpu.wait_dma2 semaphore(%run_scoped3A : memref<!tpu.dma_semaphore, #tpu.memory_space<semaphore_mem>>) src(%dma_wait3A_37 : memref<640xf32, #tpu.memory_space<vmem_shared>>) dst(%arg7 : memref<640xf32, #tpu.memory_space<vmem>>)
      tpu.yield
    }) : () -> ()
    %scan3A_27 = arith.constant 0 : i32
    %scan3A_28 = arith.constant 0 : i32
    %scan3A_29 = arith.constant 640 : i32
    %scan3A_30 = arith.addi %scan3A_28, %scan3A_29 : i32
    %scan3A_31 = arith.constant 1 : i32
    %scan3A_32 = scf.for %scan3A_36 = %scan3A_28 to %scan3A_30 step %scan3A_31 iter_args(%scan3A_37 = %scan3A_27) -> (i32)  : i32 {
      %broadcast_in_dim3A = vector.broadcast %scan3A_36 : i32 to vector<16xi32>
      %gather3A = tpu.vector_load_idx %arg7[%broadcast_in_dim3A] : memref<640xf32, #tpu.memory_space<vmem>>[vector<16xi32>], vector<16xf32>,
      %jit3A = arith.constant 2 : i32
      %div3A = arith.divsi %scan3A_36, %jit3A : i32
      %sign3A = arith.constant 0 : i32
      %sign3A_38 = arith.cmpi sgt, %scan3A_36, %sign3A : i32
      %sign3A_39 = arith.extui %sign3A_38 : i1 to i32
      %sign3A_40 = arith.constant 0 : i32
      %sign3A_41 = arith.cmpi slt, %scan3A_36, %sign3A_40 : i32
      %sign3A_42 = arith.extui %sign3A_41 : i1 to i32
      %sign3A_43 = arith.subi %sign3A_39, %sign3A_42 : i32
      %sign3A_44 = arith.constant 0 : i32
      %sign3A_45 = arith.cmpi sgt, %jit3A, %sign3A_44 : i32
      %sign3A_46 = arith.extui %sign3A_45 : i1 to i32
      %sign3A_47 = arith.constant 0 : i32
      %sign3A_48 = arith.cmpi slt, %jit3A, %sign3A_47 : i32
      %sign3A_49 = arith.extui %sign3A_48 : i1 to i32
      %sign3A_50 = arith.subi %sign3A_46, %sign3A_49 : i32
      %ne3A = arith.cmpi ne, %sign3A_43, %sign3A_50 : i32
      %rem3A = arith.remsi %scan3A_36, %jit3A : i32
      %ne3A_51 = arith.constant 0 : i32
      %ne3A_52 = arith.cmpi ne, %rem3A, %ne3A_51 : i32
      %and3A = arith.andi %ne3A, %ne3A_52 : i1
      %sub3A = arith.constant 1 : i32
      %sub3A_53 = arith.subi %div3A, %sub3A : i32
      %select_n3A = arith.select %and3A, %sub3A_53, %div3A : i32
      %jit3A_54 = arith.constant 2 : i32
      %eq3A = arith.constant 0 : i32
      %eq3A_55 = arith.cmpi eq, %jit3A_54, %eq3A : i32
      %jit3A_56 = arith.constant 1 : i32
      %select_n3A_57 = arith.select %eq3A_55, %jit3A_56, %jit3A_54 : i32
      %rem3A_58 = arith.remsi %scan3A_36, %select_n3A_57 : i32
      %ne3A_59 = arith.constant 0 : i32
      %ne3A_60 = arith.cmpi ne, %rem3A_58, %ne3A_59 : i32
      %lt3A = arith.constant 0 : i32
      %lt3A_61 = arith.cmpi slt, %rem3A_58, %lt3A : i32
      %lt3A_62 = arith.constant 0 : i32
      %lt3A_63 = arith.cmpi slt, %select_n3A_57, %lt3A_62 : i32
      %ne3A_64 = arith.xori %lt3A_61, %lt3A_63 : i1
      %and3A_65 = arith.andi %ne3A_64, %ne3A_60 : i1
      %add3A_66 = arith.addi %rem3A_58, %select_n3A_57 : i32
      %select_n3A_67 = arith.select %and3A_65, %add3A_66, %rem3A_58 : i32
      %mul3A_68 = arith.constant 64 : i32
      %mul3A_69 = arith.muli %select_n3A_67, %mul3A_68 : i32
      %add3A_70 = arith.constant 0 : i32
      %add3A_71 = arith.addi %mul3A_69, %add3A_70 : i32
      %swap3A = arith.index_cast %select_n3A : i32 to index
      %swap3A_72 = arith.index_cast %add3A_71 : i32 to index
      %swap3A_73 = tpu.vector_load %arg8[%swap3A, %swap3A_72] {strides = array<i32>} : memref<320x128xf32, #tpu.memory_space<vmem>>, vector<16xf32>,
      tpu.vector_store %arg8[%swap3A, %swap3A_72], %gather3A {strides = array<i32>} : memref<320x128xf32, #tpu.memory_space<vmem>>, vector<16xf32>,
      %jit3A_74 = arith.constant 2 : i32
      %div3A_75 = arith.divsi %scan3A_36, %jit3A_74 : i32
      %sign3A_76 = arith.constant 0 : i32
      %sign3A_77 = arith.cmpi sgt, %scan3A_36, %sign3A_76 : i32
      %sign3A_78 = arith.extui %sign3A_77 : i1 to i32
      %sign3A_79 = arith.constant 0 : i32
      %sign3A_80 = arith.cmpi slt, %scan3A_36, %sign3A_79 : i32
      %sign3A_81 = arith.extui %sign3A_80 : i1 to i32
      %sign3A_82 = arith.subi %sign3A_78, %sign3A_81 : i32
      %sign3A_83 = arith.constant 0 : i32
      %sign3A_84 = arith.cmpi sgt, %jit3A_74, %sign3A_83 : i32
      %sign3A_85 = arith.extui %sign3A_84 : i1 to i32
      %sign3A_86 = arith.constant 0 : i32
      %sign3A_87 = arith.cmpi slt, %jit3A_74, %sign3A_86 : i32
      %sign3A_88 = arith.extui %sign3A_87 : i1 to i32
      %sign3A_89 = arith.subi %sign3A_85, %sign3A_88 : i32
      %ne3A_90 = arith.cmpi ne, %sign3A_82, %sign3A_89 : i32
      %rem3A_91 = arith.remsi %scan3A_36, %jit3A_74 : i32
      %ne3A_92 = arith.constant 0 : i32
      %ne3A_93 = arith.cmpi ne, %rem3A_91, %ne3A_92 : i32
      %and3A_94 = arith.andi %ne3A_90, %ne3A_93 : i1
      %sub3A_95 = arith.constant 1 : i32
      %sub3A_96 = arith.subi %div3A_75, %sub3A_95 : i32
      %select_n3A_97 = arith.select %and3A_94, %sub3A_96, %div3A_75 : i32
      %jit3A_98 = arith.constant 2 : i32
      %eq3A_99 = arith.constant 0 : i32
      %eq3A_100 = arith.cmpi eq, %jit3A_98, %eq3A_99 : i32
      %jit3A_101 = arith.constant 1 : i32
      %select_n3A_102 = arith.select %eq3A_100, %jit3A_101, %jit3A_98 : i32
      %rem3A_103 = arith.remsi %scan3A_36, %select_n3A_102 : i32
      %ne3A_104 = arith.constant 0 : i32
      %ne3A_105 = arith.cmpi ne, %rem3A_103, %ne3A_104 : i32
      %lt3A_106 = arith.constant 0 : i32
      %lt3A_107 = arith.cmpi slt, %rem3A_103, %lt3A_106 : i32
      %lt3A_108 = arith.constant 0 : i32
      %lt3A_109 = arith.cmpi slt, %select_n3A_102, %lt3A_108 : i32
      %ne3A_110 = arith.xori %lt3A_107, %lt3A_109 : i1
      %and3A_111 = arith.andi %ne3A_110, %ne3A_105 : i1
      %add3A_112 = arith.addi %rem3A_103, %select_n3A_102 : i32
      %select_n3A_113 = arith.select %and3A_111, %add3A_112, %rem3A_103 : i32
      %mul3A_114 = arith.constant 64 : i32
      %mul3A_115 = arith.muli %select_n3A_113, %mul3A_114 : i32
      %add3A_116 = arith.constant 16 : i32
      %add3A_117 = arith.addi %mul3A_115, %add3A_116 : i32
      %swap3A_118 = arith.index_cast %select_n3A_97 : i32 to index
      %swap3A_119 = arith.index_cast %add3A_117 : i32 to index
      %swap3A_120 = tpu.vector_load %arg8[%swap3A_118, %swap3A_119] {strides = array<i32>} : memref<320x128xf32, #tpu.memory_space<vmem>>, vector<16xf32>,
      tpu.vector_store %arg8[%swap3A_118, %swap3A_119], %gather3A {strides = array<i32>} : memref<320x128xf32, #tpu.memory_space<vmem>>, vector<16xf32>,
      %jit3A_121 = arith.constant 2 : i32
      %div3A_122 = arith.divsi %scan3A_36, %jit3A_121 : i32
      %sign3A_123 = arith.constant 0 : i32
      %sign3A_124 = arith.cmpi sgt, %scan3A_36, %sign3A_123 : i32
      %sign3A_125 = arith.extui %sign3A_124 : i1 to i32
      %sign3A_126 = arith.constant 0 : i32
      %sign3A_127 = arith.cmpi slt, %scan3A_36, %sign3A_126 : i32
      %sign3A_128 = arith.extui %sign3A_127 : i1 to i32
      %sign3A_129 = arith.subi %sign3A_125, %sign3A_128 : i32
      %sign3A_130 = arith.constant 0 : i32
      %sign3A_131 = arith.cmpi sgt, %jit3A_121, %sign3A_130 : i32
      %sign3A_132 = arith.extui %sign3A_131 : i1 to i32
      %sign3A_133 = arith.constant 0 : i32
      %sign3A_134 = arith.cmpi slt, %jit3A_121, %sign3A_133 : i32
      %sign3A_135 = arith.extui %sign3A_134 : i1 to i32
      %sign3A_136 = arith.subi %sign3A_132, %sign3A_135 : i32
      %ne3A_137 = arith.cmpi ne, %sign3A_129, %sign3A_136 : i32
      %rem3A_138 = arith.remsi %scan3A_36, %jit3A_121 : i32
      %ne3A_139 = arith.constant 0 : i32
      %ne3A_140 = arith.cmpi ne, %rem3A_138, %ne3A_139 : i32
      %and3A_141 = arith.andi %ne3A_137, %ne3A_140 : i1
      %sub3A_142 = arith.constant 1 : i32
      %sub3A_143 = arith.subi %div3A_122, %sub3A_142 : i32
      %select_n3A_144 = arith.select %and3A_141, %sub3A_143, %div3A_122 : i32
      %jit3A_145 = arith.constant 2 : i32
      %eq3A_146 = arith.constant 0 : i32
      %eq3A_147 = arith.cmpi eq, %jit3A_145, %eq3A_146 : i32
      %jit3A_148 = arith.constant 1 : i32
      %select_n3A_149 = arith.select %eq3A_147, %jit3A_148, %jit3A_145 : i32
      %rem3A_150 = arith.remsi %scan3A_36, %select_n3A_149 : i32
      %ne3A_151 = arith.constant 0 : i32
      %ne3A_152 = arith.cmpi ne, %rem3A_150, %ne3A_151 : i32
      %lt3A_153 = arith.constant 0 : i32
      %lt3A_154 = arith.cmpi slt, %rem3A_150, %lt3A_153 : i32
      %lt3A_155 = arith.constant 0 : i32
      %lt3A_156 = arith.cmpi slt, %select_n3A_149, %lt3A_155 : i32
      %ne3A_157 = arith.xori %lt3A_154, %lt3A_156 : i1
      %and3A_158 = arith.andi %ne3A_157, %ne3A_152 : i1
      %add3A_159 = arith.addi %rem3A_150, %select_n3A_149 : i32
      %select_n3A_160 = arith.select %and3A_158, %add3A_159, %rem3A_150 : i32
      %mul3A_161 = arith.constant 64 : i32
      %mul3A_162 = arith.muli %select_n3A_160, %mul3A_161 : i32
      %add3A_163 = arith.constant 32 : i32
      %add3A_164 = arith.addi %mul3A_162, %add3A_163 : i32
      %swap3A_165 = arith.index_cast %select_n3A_144 : i32 to index
      %swap3A_166 = arith.index_cast %add3A_164 : i32 to index
      %swap3A_167 = tpu.vector_load %arg8[%swap3A_165, %swap3A_166] {strides = array<i32>} : memref<320x128xf32, #tpu.memory_space<vmem>>, vector<16xf32>,
      tpu.vector_store %arg8[%swap3A_165, %swap3A_166], %gather3A {strides = array<i32>} : memref<320x128xf32, #tpu.memory_space<vmem>>, vector<16xf32>,
      %jit3A_168 = arith.constant 2 : i32
      %div3A_169 = arith.divsi %scan3A_36, %jit3A_168 : i32
      %sign3A_170 = arith.constant 0 : i32
      %sign3A_171 = arith.cmpi sgt, %scan3A_36, %sign3A_170 : i32
      %sign3A_172 = arith.extui %sign3A_171 : i1 to i32
      %sign3A_173 = arith.constant 0 : i32
      %sign3A_174 = arith.cmpi slt, %scan3A_36, %sign3A_173 : i32
      %sign3A_175 = arith.extui %sign3A_174 : i1 to i32
      %sign3A_176 = arith.subi %sign3A_172, %sign3A_175 : i32
      %sign3A_177 = arith.constant 0 : i32
      %sign3A_178 = arith.cmpi sgt, %jit3A_168, %sign3A_177 : i32
      %sign3A_179 = arith.extui %sign3A_178 : i1 to i32
      %sign3A_180 = arith.constant 0 : i32
      %sign3A_181 = arith.cmpi slt, %jit3A_168, %sign3A_180 : i32
      %sign3A_182 = arith.extui %sign3A_181 : i1 to i32
      %sign3A_183 = arith.subi %sign3A_179, %sign3A_182 : i32
      %ne3A_184 = arith.cmpi ne, %sign3A_176, %sign3A_183 : i32
      %rem3A_185 = arith.remsi %scan3A_36, %jit3A_168 : i32
      %ne3A_186 = arith.constant 0 : i32
      %ne3A_187 = arith.cmpi ne, %rem3A_185, %ne3A_186 : i32
      %and3A_188 = arith.andi %ne3A_184, %ne3A_187 : i1
      %sub3A_189 = arith.constant 1 : i32
      %sub3A_190 = arith.subi %div3A_169, %sub3A_189 : i32
      %select_n3A_191 = arith.select %and3A_188, %sub3A_190, %div3A_169 : i32
      %jit3A_192 = arith.constant 2 : i32
      %eq3A_193 = arith.constant 0 : i32
      %eq3A_194 = arith.cmpi eq, %jit3A_192, %eq3A_193 : i32
      %jit3A_195 = arith.constant 1 : i32
      %select_n3A_196 = arith.select %eq3A_194, %jit3A_195, %jit3A_192 : i32
      %rem3A_197 = arith.remsi %scan3A_36, %select_n3A_196 : i32
      %ne3A_198 = arith.constant 0 : i32
      %ne3A_199 = arith.cmpi ne, %rem3A_197, %ne3A_198 : i32
      %lt3A_200 = arith.constant 0 : i32
      %lt3A_201 = arith.cmpi slt, %rem3A_197, %lt3A_200 : i32
      %lt3A_202 = arith.constant 0 : i32
      %lt3A_203 = arith.cmpi slt, %select_n3A_196, %lt3A_202 : i32
      %ne3A_204 = arith.xori %lt3A_201, %lt3A_203 : i1
      %and3A_205 = arith.andi %ne3A_204, %ne3A_199 : i1
      %add3A_206 = arith.addi %rem3A_197, %select_n3A_196 : i32
      %select_n3A_207 = arith.select %and3A_205, %add3A_206, %rem3A_197 : i32
      %mul3A_208 = arith.constant 64 : i32
      %mul3A_209 = arith.muli %select_n3A_207, %mul3A_208 : i32
      %add3A_210 = arith.constant 48 : i32
      %add3A_211 = arith.addi %mul3A_209, %add3A_210 : i32
      %swap3A_212 = arith.index_cast %select_n3A_191 : i32 to index
      %swap3A_213 = arith.index_cast %add3A_211 : i32 to index
      %swap3A_214 = tpu.vector_load %arg8[%swap3A_212, %swap3A_213] {strides = array<i32>} : memref<320x128xf32, #tpu.memory_space<vmem>>, vector<16xf32>,
      tpu.vector_store %arg8[%swap3A_212, %swap3A_213], %gather3A {strides = array<i32>} : memref<320x128xf32, #tpu.memory_space<vmem>>, vector<16xf32>,
      %scan3A_215 = arith.constant 0 : i32
      scf.yield %scan3A_215 : i32
    }
    %scan3A_33 = arith.constant 640 : i32
    %mul3A_34 = arith.constant 320 : i32
    %mul3A_35 = arith.muli %arg1, %mul3A_34 : i32
    "tpu.region"() ({
      %run_scoped3A = tpu.sem_alloc : memref<!tpu.dma_semaphore, #tpu.memory_space<semaphore_mem>>
      %dma_start3A = arith.constant 0 : i32
      %dma_start3A_36 = tpu.memref_slice %arg3[%arg0, %mul3A_35, %dma_start3A] : memref<2x5120x128xf32, #tpu.memory_space<hbm>> -> memref<1x320x128xf32, #tpu.memory_space<hbm>>
      %dma_start3A_37 = tpu.memref_squeeze %dma_start3A_36 : memref<1x320x128xf32, #tpu.memory_space<hbm>> -> memref<320x128xf32, #tpu.memory_space<hbm>>
      %dma_start3A_38 = arith.constant 0 : i32
      %dma_start3A_39 = tpu.memref_slice %arg3[%arg0, %mul3A_35, %dma_start3A_38] : memref<2x5120x128xf32, #tpu.memory_space<hbm>> -> memref<1x320x128xf32, #tpu.memory_space<hbm>>
      %dma_start3A_40 = tpu.memref_squeeze %dma_start3A_39 : memref<1x320x128xf32, #tpu.memory_space<hbm>> -> memref<320x128xf32, #tpu.memory_space<hbm>>
      tpu.enqueue_dma source(%arg8 : memref<320x128xf32, #tpu.memory_space<vmem>>) target(%dma_start3A_40 : memref<320x128xf32, #tpu.memory_space<hbm>>) target_semaphore(%run_scoped3A : memref<!tpu.dma_semaphore, #tpu.memory_space<semaphore_mem>>)
      %dma_wait3A = arith.constant 0 : i32
      %dma_wait3A_41 = tpu.memref_slice %arg3[%arg0, %mul3A_35, %dma_wait3A] : memref<2x5120x128xf32, #tpu.memory_space<hbm>> -> memref<1x320x128xf32, #tpu.memory_space<hbm>>
      %dma_wait3A_42 = tpu.memref_squeeze %dma_wait3A_41 : memref<1x320x128xf32, #tpu.memory_space<hbm>> -> memref<320x128xf32, #tpu.memory_space<hbm>>
      %dma_wait3A_43 = arith.constant 0 : i32
      %dma_wait3A_44 = tpu.memref_slice %arg3[%arg0, %mul3A_35, %dma_wait3A_43] : memref<2x5120x128xf32, #tpu.memory_space<hbm>> -> memref<1x320x128xf32, #tpu.memory_space<hbm>>
      %dma_wait3A_45 = tpu.memref_squeeze %dma_wait3A_44 : memref<1x320x128xf32, #tpu.memory_space<hbm>> -> memref<320x128xf32, #tpu.memory_space<hbm>>
      tpu.wait_dma2 semaphore(%run_scoped3A : memref<!tpu.dma_semaphore, #tpu.memory_space<semaphore_mem>>) src(%arg8 : memref<320x128xf32, #tpu.memory_space<vmem>>) dst(%dma_wait3A_45 : memref<320x128xf32, #tpu.memory_space<hbm>>)
      tpu.yield
    }) : () -> ()
    return
  }
}

#map = affine_map<(d0, d1) -> (0, 0, 0)>
#map1 = affine_map<(d0, d1) -> (0, 0)>
module attributes {stable_mosaic.version = 14 : i64} {
  func.func @_prop(%arg0: i32, %arg1: i32, %arg2: memref<32x80x128xi32, #tpu.memory_space<hbm>>, %arg3: memref<32x80x128xi32, #tpu.memory_space<hbm>>, %arg4: memref<10240x64xf32, #tpu.memory_space<hbm>>, %arg5: memref<2x10240x64xf32, #tpu.memory_space<hbm>>, %arg6: memref<80x128xi32, #tpu.memory_space<vmem>>, %arg7: memref<80x128xi32, #tpu.memory_space<vmem>>, %arg8: memref<128x64xf32, #tpu.memory_space<vmem>>, %arg9: memref<128x64xf32, #tpu.memory_space<vmem>>, %arg10: memref<!tpu.dma_semaphore, #tpu.memory_space<semaphore_mem>>, %arg11: memref<!tpu.dma_semaphore, #tpu.memory_space<semaphore_mem>>, %arg12: memref<!tpu.dma_semaphore, #tpu.memory_space<semaphore_mem>>, %arg13: memref<!tpu.dma_semaphore, #tpu.memory_space<semaphore_mem>>, %arg14: memref<10240x64xf32, #tpu.memory_space<vmem_shared>>, %arg15: memref<10240x64xf32, #tpu.memory_space<vmem_shared>>) attributes {dimension_semantics = [#tpu.dimension_semantics<core_parallel>, #tpu.dimension_semantics<subcore_parallel>], iteration_bounds = array<i64: 2, 16>, scalar_prefetch = 0 : i64, scratch_operands = 10 : i64, tpu.core_type = #tpu.core_type<sc_vector_subcore>, window_params = [{transform_indices = #map}, {transform_indices = #map}, {transform_indices = #map1}, {transform_indices = #map}]} {
    %mul3A = arith.constant 16 : i32
    %mul3A_0 = arith.muli %arg0, %mul3A : i32
    %add3A = arith.addi %mul3A_0, %arg1 : i32
    "tpu.region"() ({
      %run_scoped3A = tpu.sem_alloc : memref<!tpu.dma_semaphore, #tpu.memory_space<semaphore_mem>>
      %dma_start3A_40 = arith.constant 0 : i32
      %dma_start3A_41 = arith.constant 0 : i32
      %dma_start3A_42 = tpu.memref_slice %arg2[%add3A, %dma_start3A_40, %dma_start3A_41] : memref<32x80x128xi32, #tpu.memory_space<hbm>> -> memref<1x80x128xi32, #tpu.memory_space<hbm>>
      %dma_start3A_43 = tpu.memref_squeeze %dma_start3A_42 : memref<1x80x128xi32, #tpu.memory_space<hbm>> -> memref<80x128xi32, #tpu.memory_space<hbm>>
      %dma_start3A_44 = arith.constant 0 : i32
      %dma_start3A_45 = arith.constant 0 : i32
      %dma_start3A_46 = tpu.memref_slice %arg2[%add3A, %dma_start3A_44, %dma_start3A_45] : memref<32x80x128xi32, #tpu.memory_space<hbm>> -> memref<1x80x128xi32, #tpu.memory_space<hbm>>
      %dma_start3A_47 = tpu.memref_squeeze %dma_start3A_46 : memref<1x80x128xi32, #tpu.memory_space<hbm>> -> memref<80x128xi32, #tpu.memory_space<hbm>>
      tpu.enqueue_dma source(%dma_start3A_47 : memref<80x128xi32, #tpu.memory_space<hbm>>) target(%arg6 : memref<80x128xi32, #tpu.memory_space<vmem>>) target_semaphore(%run_scoped3A : memref<!tpu.dma_semaphore, #tpu.memory_space<semaphore_mem>>)
      %dma_wait3A = arith.constant 0 : i32
      %dma_wait3A_48 = arith.constant 0 : i32
      %dma_wait3A_49 = tpu.memref_slice %arg2[%add3A, %dma_wait3A, %dma_wait3A_48] : memref<32x80x128xi32, #tpu.memory_space<hbm>> -> memref<1x80x128xi32, #tpu.memory_space<hbm>>
      %dma_wait3A_50 = tpu.memref_squeeze %dma_wait3A_49 : memref<1x80x128xi32, #tpu.memory_space<hbm>> -> memref<80x128xi32, #tpu.memory_space<hbm>>
      %dma_wait3A_51 = arith.constant 0 : i32
      %dma_wait3A_52 = arith.constant 0 : i32
      %dma_wait3A_53 = tpu.memref_slice %arg2[%add3A, %dma_wait3A_51, %dma_wait3A_52] : memref<32x80x128xi32, #tpu.memory_space<hbm>> -> memref<1x80x128xi32, #tpu.memory_space<hbm>>
      %dma_wait3A_54 = tpu.memref_squeeze %dma_wait3A_53 : memref<1x80x128xi32, #tpu.memory_space<hbm>> -> memref<80x128xi32, #tpu.memory_space<hbm>>
      tpu.wait_dma2 semaphore(%run_scoped3A : memref<!tpu.dma_semaphore, #tpu.memory_space<semaphore_mem>>) src(%dma_wait3A_54 : memref<80x128xi32, #tpu.memory_space<hbm>>) dst(%arg6 : memref<80x128xi32, #tpu.memory_space<vmem>>)
      tpu.yield
    }) : () -> ()
    "tpu.region"() ({
      %run_scoped3A = tpu.sem_alloc : memref<!tpu.dma_semaphore, #tpu.memory_space<semaphore_mem>>
      %dma_start3A_40 = arith.constant 0 : i32
      %dma_start3A_41 = arith.constant 0 : i32
      %dma_start3A_42 = tpu.memref_slice %arg3[%add3A, %dma_start3A_40, %dma_start3A_41] : memref<32x80x128xi32, #tpu.memory_space<hbm>> -> memref<1x80x128xi32, #tpu.memory_space<hbm>>
      %dma_start3A_43 = tpu.memref_squeeze %dma_start3A_42 : memref<1x80x128xi32, #tpu.memory_space<hbm>> -> memref<80x128xi32, #tpu.memory_space<hbm>>
      %dma_start3A_44 = arith.constant 0 : i32
      %dma_start3A_45 = arith.constant 0 : i32
      %dma_start3A_46 = tpu.memref_slice %arg3[%add3A, %dma_start3A_44, %dma_start3A_45] : memref<32x80x128xi32, #tpu.memory_space<hbm>> -> memref<1x80x128xi32, #tpu.memory_space<hbm>>
      %dma_start3A_47 = tpu.memref_squeeze %dma_start3A_46 : memref<1x80x128xi32, #tpu.memory_space<hbm>> -> memref<80x128xi32, #tpu.memory_space<hbm>>
      tpu.enqueue_dma source(%dma_start3A_47 : memref<80x128xi32, #tpu.memory_space<hbm>>) target(%arg7 : memref<80x128xi32, #tpu.memory_space<vmem>>) target_semaphore(%run_scoped3A : memref<!tpu.dma_semaphore, #tpu.memory_space<semaphore_mem>>)
      %dma_wait3A = arith.constant 0 : i32
      %dma_wait3A_48 = arith.constant 0 : i32
      %dma_wait3A_49 = tpu.memref_slice %arg3[%add3A, %dma_wait3A, %dma_wait3A_48] : memref<32x80x128xi32, #tpu.memory_space<hbm>> -> memref<1x80x128xi32, #tpu.memory_space<hbm>>
      %dma_wait3A_50 = tpu.memref_squeeze %dma_wait3A_49 : memref<1x80x128xi32, #tpu.memory_space<hbm>> -> memref<80x128xi32, #tpu.memory_space<hbm>>
      %dma_wait3A_51 = arith.constant 0 : i32
      %dma_wait3A_52 = arith.constant 0 : i32
      %dma_wait3A_53 = tpu.memref_slice %arg3[%add3A, %dma_wait3A_51, %dma_wait3A_52] : memref<32x80x128xi32, #tpu.memory_space<hbm>> -> memref<1x80x128xi32, #tpu.memory_space<hbm>>
      %dma_wait3A_54 = tpu.memref_squeeze %dma_wait3A_53 : memref<1x80x128xi32, #tpu.memory_space<hbm>> -> memref<80x128xi32, #tpu.memory_space<hbm>>
      tpu.wait_dma2 semaphore(%run_scoped3A : memref<!tpu.dma_semaphore, #tpu.memory_space<semaphore_mem>>) src(%dma_wait3A_54 : memref<80x128xi32, #tpu.memory_space<hbm>>) dst(%arg7 : memref<80x128xi32, #tpu.memory_space<vmem>>)
      tpu.yield
    }) : () -> ()
    %scan3A = arith.constant 0 : i32
    %scan3A_1 = arith.constant 0 : i32
    %scan3A_2 = arith.constant 512 : i32
    %scan3A_3 = arith.addi %scan3A_1, %scan3A_2 : i32
    %scan3A_4 = arith.constant 1 : i32
    %scan3A_5 = scf.for %scan3A_40 = %scan3A_1 to %scan3A_3 step %scan3A_4 iter_args(%scan3A_41 = %scan3A) -> (i32)  : i32 {
      %broadcast_in_dim3A = arith.constant 0.000000e+00 : f32
      %broadcast_in_dim3A_42 = vector.broadcast %broadcast_in_dim3A : f32 to vector<16xf32>
      %jit3A = arith.constant 4 : i32
      %div3A = arith.divsi %scan3A_40, %jit3A : i32
      %sign3A = arith.constant 0 : i32
      %sign3A_43 = arith.cmpi sgt, %scan3A_40, %sign3A : i32
      %sign3A_44 = arith.extui %sign3A_43 : i1 to i32
      %sign3A_45 = arith.constant 0 : i32
      %sign3A_46 = arith.cmpi slt, %scan3A_40, %sign3A_45 : i32
      %sign3A_47 = arith.extui %sign3A_46 : i1 to i32
      %sign3A_48 = arith.subi %sign3A_44, %sign3A_47 : i32
      %sign3A_49 = arith.constant 0 : i32
      %sign3A_50 = arith.cmpi sgt, %jit3A, %sign3A_49 : i32
      %sign3A_51 = arith.extui %sign3A_50 : i1 to i32
      %sign3A_52 = arith.constant 0 : i32
      %sign3A_53 = arith.cmpi slt, %jit3A, %sign3A_52 : i32
      %sign3A_54 = arith.extui %sign3A_53 : i1 to i32
      %sign3A_55 = arith.subi %sign3A_51, %sign3A_54 : i32
      %ne3A = arith.cmpi ne, %sign3A_48, %sign3A_55 : i32
      %rem3A = arith.remsi %scan3A_40, %jit3A : i32
      %ne3A_56 = arith.constant 0 : i32
      %ne3A_57 = arith.cmpi ne, %rem3A, %ne3A_56 : i32
      %and3A = arith.andi %ne3A, %ne3A_57 : i1
      %sub3A = arith.constant 1 : i32
      %sub3A_58 = arith.subi %div3A, %sub3A : i32
      %select_n3A = arith.select %and3A, %sub3A_58, %div3A : i32
      %jit3A_59 = arith.constant 4 : i32
      %eq3A = arith.constant 0 : i32
      %eq3A_60 = arith.cmpi eq, %jit3A_59, %eq3A : i32
      %jit3A_61 = arith.constant 1 : i32
      %select_n3A_62 = arith.select %eq3A_60, %jit3A_61, %jit3A_59 : i32
      %rem3A_63 = arith.remsi %scan3A_40, %select_n3A_62 : i32
      %ne3A_64 = arith.constant 0 : i32
      %ne3A_65 = arith.cmpi ne, %rem3A_63, %ne3A_64 : i32
      %lt3A = arith.constant 0 : i32
      %lt3A_66 = arith.cmpi slt, %rem3A_63, %lt3A : i32
      %lt3A_67 = arith.constant 0 : i32
      %lt3A_68 = arith.cmpi slt, %select_n3A_62, %lt3A_67 : i32
      %ne3A_69 = arith.xori %lt3A_66, %lt3A_68 : i1
      %and3A_70 = arith.andi %ne3A_69, %ne3A_65 : i1
      %add3A_71 = arith.addi %rem3A_63, %select_n3A_62 : i32
      %select_n3A_72 = arith.select %and3A_70, %add3A_71, %rem3A_63 : i32
      %mul3A_73 = arith.constant 16 : i32
      %mul3A_74 = arith.muli %select_n3A_72, %mul3A_73 : i32
      %swap3A = arith.index_cast %select_n3A : i32 to index
      %swap3A_75 = arith.index_cast %mul3A_74 : i32 to index
      %swap3A_76 = tpu.vector_load %arg8[%swap3A, %swap3A_75] {strides = array<i32>} : memref<128x64xf32, #tpu.memory_space<vmem>>, vector<16xf32>,
      tpu.vector_store %arg8[%swap3A, %swap3A_75], %broadcast_in_dim3A_42 {strides = array<i32>} : memref<128x64xf32, #tpu.memory_space<vmem>>, vector<16xf32>,
      %scan3A_77 = arith.constant 0 : i32
      scf.yield %scan3A_77 : i32
    }
    %scan3A_6 = arith.constant 512 : i32
    %mul3A_7 = arith.constant 640 : i32
    %mul3A_8 = arith.muli %arg1, %mul3A_7 : i32
    %add3A_9 = arith.constant 0 : i32
    %add3A_10 = arith.addi %mul3A_8, %add3A_9 : i32
    "tpu.region"() ({
      %run_scoped3A = tpu.sem_alloc : memref<!tpu.dma_semaphore, #tpu.memory_space<semaphore_mem>>
      %dma_start3A_40 = arith.constant 0 : i32
      %dma_start3A_41 = tpu.memref_slice %arg14[%add3A_10, %dma_start3A_40] : memref<10240x64xf32, #tpu.memory_space<vmem_shared>> -> memref<128x64xf32, #tpu.memory_space<vmem_shared>>
      %dma_start3A_42 = arith.constant 0 : i32
      %dma_start3A_43 = tpu.memref_slice %arg14[%add3A_10, %dma_start3A_42] : memref<10240x64xf32, #tpu.memory_space<vmem_shared>> -> memref<128x64xf32, #tpu.memory_space<vmem_shared>>
      tpu.enqueue_dma source(%arg8 : memref<128x64xf32, #tpu.memory_space<vmem>>) target(%dma_start3A_43 : memref<128x64xf32, #tpu.memory_space<vmem_shared>>) target_semaphore(%run_scoped3A : memref<!tpu.dma_semaphore, #tpu.memory_space<semaphore_mem>>)
      %dma_wait3A = arith.constant 0 : i32
      %dma_wait3A_44 = tpu.memref_slice %arg14[%add3A_10, %dma_wait3A] : memref<10240x64xf32, #tpu.memory_space<vmem_shared>> -> memref<128x64xf32, #tpu.memory_space<vmem_shared>>
      %dma_wait3A_45 = arith.constant 0 : i32
      %dma_wait3A_46 = tpu.memref_slice %arg14[%add3A_10, %dma_wait3A_45] : memref<10240x64xf32, #tpu.memory_space<vmem_shared>> -> memref<128x64xf32, #tpu.memory_space<vmem_shared>>
      tpu.wait_dma2 semaphore(%run_scoped3A : memref<!tpu.dma_semaphore, #tpu.memory_space<semaphore_mem>>) src(%arg8 : memref<128x64xf32, #tpu.memory_space<vmem>>) dst(%dma_wait3A_46 : memref<128x64xf32, #tpu.memory_space<vmem_shared>>)
      tpu.yield
    }) : () -> ()
    %add3A_11 = arith.constant 128 : i32
    %add3A_12 = arith.addi %mul3A_8, %add3A_11 : i32
    "tpu.region"() ({
      %run_scoped3A = tpu.sem_alloc : memref<!tpu.dma_semaphore, #tpu.memory_space<semaphore_mem>>
      %dma_start3A_40 = arith.constant 0 : i32
      %dma_start3A_41 = tpu.memref_slice %arg14[%add3A_12, %dma_start3A_40] : memref<10240x64xf32, #tpu.memory_space<vmem_shared>> -> memref<128x64xf32, #tpu.memory_space<vmem_shared>>
      %dma_start3A_42 = arith.constant 0 : i32
      %dma_start3A_43 = tpu.memref_slice %arg14[%add3A_12, %dma_start3A_42] : memref<10240x64xf32, #tpu.memory_space<vmem_shared>> -> memref<128x64xf32, #tpu.memory_space<vmem_shared>>
      tpu.enqueue_dma source(%arg8 : memref<128x64xf32, #tpu.memory_space<vmem>>) target(%dma_start3A_43 : memref<128x64xf32, #tpu.memory_space<vmem_shared>>) target_semaphore(%run_scoped3A : memref<!tpu.dma_semaphore, #tpu.memory_space<semaphore_mem>>)
      %dma_wait3A = arith.constant 0 : i32
      %dma_wait3A_44 = tpu.memref_slice %arg14[%add3A_12, %dma_wait3A] : memref<10240x64xf32, #tpu.memory_space<vmem_shared>> -> memref<128x64xf32, #tpu.memory_space<vmem_shared>>
      %dma_wait3A_45 = arith.constant 0 : i32
      %dma_wait3A_46 = tpu.memref_slice %arg14[%add3A_12, %dma_wait3A_45] : memref<10240x64xf32, #tpu.memory_space<vmem_shared>> -> memref<128x64xf32, #tpu.memory_space<vmem_shared>>
      tpu.wait_dma2 semaphore(%run_scoped3A : memref<!tpu.dma_semaphore, #tpu.memory_space<semaphore_mem>>) src(%arg8 : memref<128x64xf32, #tpu.memory_space<vmem>>) dst(%dma_wait3A_46 : memref<128x64xf32, #tpu.memory_space<vmem_shared>>)
      tpu.yield
    }) : () -> ()
    %add3A_13 = arith.constant 256 : i32
    %add3A_14 = arith.addi %mul3A_8, %add3A_13 : i32
    "tpu.region"() ({
      %run_scoped3A = tpu.sem_alloc : memref<!tpu.dma_semaphore, #tpu.memory_space<semaphore_mem>>
      %dma_start3A_40 = arith.constant 0 : i32
      %dma_start3A_41 = tpu.memref_slice %arg14[%add3A_14, %dma_start3A_40] : memref<10240x64xf32, #tpu.memory_space<vmem_shared>> -> memref<128x64xf32, #tpu.memory_space<vmem_shared>>
      %dma_start3A_42 = arith.constant 0 : i32
      %dma_start3A_43 = tpu.memref_slice %arg14[%add3A_14, %dma_start3A_42] : memref<10240x64xf32, #tpu.memory_space<vmem_shared>> -> memref<128x64xf32, #tpu.memory_space<vmem_shared>>
      tpu.enqueue_dma source(%arg8 : memref<128x64xf32, #tpu.memory_space<vmem>>) target(%dma_start3A_43 : memref<128x64xf32, #tpu.memory_space<vmem_shared>>) target_semaphore(%run_scoped3A : memref<!tpu.dma_semaphore, #tpu.memory_space<semaphore_mem>>)
      %dma_wait3A = arith.constant 0 : i32
      %dma_wait3A_44 = tpu.memref_slice %arg14[%add3A_14, %dma_wait3A] : memref<10240x64xf32, #tpu.memory_space<vmem_shared>> -> memref<128x64xf32, #tpu.memory_space<vmem_shared>>
      %dma_wait3A_45 = arith.constant 0 : i32
      %dma_wait3A_46 = tpu.memref_slice %arg14[%add3A_14, %dma_wait3A_45] : memref<10240x64xf32, #tpu.memory_space<vmem_shared>> -> memref<128x64xf32, #tpu.memory_space<vmem_shared>>
      tpu.wait_dma2 semaphore(%run_scoped3A : memref<!tpu.dma_semaphore, #tpu.memory_space<semaphore_mem>>) src(%arg8 : memref<128x64xf32, #tpu.memory_space<vmem>>) dst(%dma_wait3A_46 : memref<128x64xf32, #tpu.memory_space<vmem_shared>>)
      tpu.yield
    }) : () -> ()
    %add3A_15 = arith.constant 384 : i32
    %add3A_16 = arith.addi %mul3A_8, %add3A_15 : i32
    "tpu.region"() ({
      %run_scoped3A = tpu.sem_alloc : memref<!tpu.dma_semaphore, #tpu.memory_space<semaphore_mem>>
      %dma_start3A_40 = arith.constant 0 : i32
      %dma_start3A_41 = tpu.memref_slice %arg14[%add3A_16, %dma_start3A_40] : memref<10240x64xf32, #tpu.memory_space<vmem_shared>> -> memref<128x64xf32, #tpu.memory_space<vmem_shared>>
      %dma_start3A_42 = arith.constant 0 : i32
      %dma_start3A_43 = tpu.memref_slice %arg14[%add3A_16, %dma_start3A_42] : memref<10240x64xf32, #tpu.memory_space<vmem_shared>> -> memref<128x64xf32, #tpu.memory_space<vmem_shared>>
      tpu.enqueue_dma source(%arg8 : memref<128x64xf32, #tpu.memory_space<vmem>>) target(%dma_start3A_43 : memref<128x64xf32, #tpu.memory_space<vmem_shared>>) target_semaphore(%run_scoped3A : memref<!tpu.dma_semaphore, #tpu.memory_space<semaphore_mem>>)
      %dma_wait3A = arith.constant 0 : i32
      %dma_wait3A_44 = tpu.memref_slice %arg14[%add3A_16, %dma_wait3A] : memref<10240x64xf32, #tpu.memory_space<vmem_shared>> -> memref<128x64xf32, #tpu.memory_space<vmem_shared>>
      %dma_wait3A_45 = arith.constant 0 : i32
      %dma_wait3A_46 = tpu.memref_slice %arg14[%add3A_16, %dma_wait3A_45] : memref<10240x64xf32, #tpu.memory_space<vmem_shared>> -> memref<128x64xf32, #tpu.memory_space<vmem_shared>>
      tpu.wait_dma2 semaphore(%run_scoped3A : memref<!tpu.dma_semaphore, #tpu.memory_space<semaphore_mem>>) src(%arg8 : memref<128x64xf32, #tpu.memory_space<vmem>>) dst(%dma_wait3A_46 : memref<128x64xf32, #tpu.memory_space<vmem_shared>>)
      tpu.yield
    }) : () -> ()
    %add3A_17 = arith.constant 512 : i32
    %add3A_18 = arith.addi %mul3A_8, %add3A_17 : i32
    "tpu.region"() ({
      %run_scoped3A = tpu.sem_alloc : memref<!tpu.dma_semaphore, #tpu.memory_space<semaphore_mem>>
      %dma_start3A_40 = arith.constant 0 : i32
      %dma_start3A_41 = tpu.memref_slice %arg14[%add3A_18, %dma_start3A_40] : memref<10240x64xf32, #tpu.memory_space<vmem_shared>> -> memref<128x64xf32, #tpu.memory_space<vmem_shared>>
      %dma_start3A_42 = arith.constant 0 : i32
      %dma_start3A_43 = tpu.memref_slice %arg14[%add3A_18, %dma_start3A_42] : memref<10240x64xf32, #tpu.memory_space<vmem_shared>> -> memref<128x64xf32, #tpu.memory_space<vmem_shared>>
      tpu.enqueue_dma source(%arg8 : memref<128x64xf32, #tpu.memory_space<vmem>>) target(%dma_start3A_43 : memref<128x64xf32, #tpu.memory_space<vmem_shared>>) target_semaphore(%run_scoped3A : memref<!tpu.dma_semaphore, #tpu.memory_space<semaphore_mem>>)
      %dma_wait3A = arith.constant 0 : i32
      %dma_wait3A_44 = tpu.memref_slice %arg14[%add3A_18, %dma_wait3A] : memref<10240x64xf32, #tpu.memory_space<vmem_shared>> -> memref<128x64xf32, #tpu.memory_space<vmem_shared>>
      %dma_wait3A_45 = arith.constant 0 : i32
      %dma_wait3A_46 = tpu.memref_slice %arg14[%add3A_18, %dma_wait3A_45] : memref<10240x64xf32, #tpu.memory_space<vmem_shared>> -> memref<128x64xf32, #tpu.memory_space<vmem_shared>>
      tpu.wait_dma2 semaphore(%run_scoped3A : memref<!tpu.dma_semaphore, #tpu.memory_space<semaphore_mem>>) src(%arg8 : memref<128x64xf32, #tpu.memory_space<vmem>>) dst(%dma_wait3A_46 : memref<128x64xf32, #tpu.memory_space<vmem_shared>>)
      tpu.yield
    }) : () -> ()
    "tpu.region"() ({
      %run_scoped3A = tpu.sem_alloc : memref<!tpu.dma_semaphore, #tpu.memory_space<semaphore_mem>>
      %dma_start3A_40 = arith.constant 0 : i32
      %dma_start3A_41 = tpu.memref_slice %arg15[%mul3A_8, %dma_start3A_40] : memref<10240x64xf32, #tpu.memory_space<vmem_shared>> -> memref<640x64xf32, #tpu.memory_space<vmem_shared>>
      %dma_start3A_42 = arith.constant 0 : i32
      %dma_start3A_43 = tpu.memref_slice %arg4[%mul3A_8, %dma_start3A_42] : memref<10240x64xf32, #tpu.memory_space<hbm>> -> memref<640x64xf32, #tpu.memory_space<hbm>>
      tpu.enqueue_dma source(%dma_start3A_43 : memref<640x64xf32, #tpu.memory_space<hbm>>) target(%dma_start3A_41 : memref<640x64xf32, #tpu.memory_space<vmem_shared>>) target_semaphore(%run_scoped3A : memref<!tpu.dma_semaphore, #tpu.memory_space<semaphore_mem>>)
      %dma_wait3A = arith.constant 0 : i32
      %dma_wait3A_44 = tpu.memref_slice %arg15[%mul3A_8, %dma_wait3A] : memref<10240x64xf32, #tpu.memory_space<vmem_shared>> -> memref<640x64xf32, #tpu.memory_space<vmem_shared>>
      %dma_wait3A_45 = arith.constant 0 : i32
      %dma_wait3A_46 = tpu.memref_slice %arg4[%mul3A_8, %dma_wait3A_45] : memref<10240x64xf32, #tpu.memory_space<hbm>> -> memref<640x64xf32, #tpu.memory_space<hbm>>
      tpu.wait_dma2 semaphore(%run_scoped3A : memref<!tpu.dma_semaphore, #tpu.memory_space<semaphore_mem>>) src(%dma_wait3A_46 : memref<640x64xf32, #tpu.memory_space<hbm>>) dst(%dma_wait3A_44 : memref<640x64xf32, #tpu.memory_space<vmem_shared>>)
      tpu.yield
    }) : () -> ()
    %barrier3A = arith.constant 0 : index
    tpu.barrier barrier_id(%barrier3A)
    %dma_start3A = arith.constant 0 : i32
    %dma_start3A_19 = arith.constant 0 : i32
    %dma_start3A_20 = tpu.memref_slice %arg6[%dma_start3A, %dma_start3A_19] : memref<80x128xi32, #tpu.memory_space<vmem>> -> memref<1x128xi32, #tpu.memory_space<vmem>>
    %dma_start3A_21 = tpu.memref_squeeze %dma_start3A_20 : memref<1x128xi32, #tpu.memory_space<vmem>> -> memref<128xi32, #tpu.memory_space<vmem>>
    %dma_start3A_22 = arith.constant 0 : i32
    %dma_start3A_23 = arith.constant 0 : i32
    %dma_start3A_24 = tpu.memref_slice %arg15[%dma_start3A_22, %dma_start3A_23] : memref<10240x64xf32, #tpu.memory_space<vmem_shared>> -> memref<10240x64xf32, #tpu.memory_space<vmem_shared>>
    tpu.enqueue_indirect_dma source(%dma_start3A_24 : memref<10240x64xf32, #tpu.memory_space<vmem_shared>>) target(%arg8 : memref<128x64xf32, #tpu.memory_space<vmem>>) offsets(%dma_start3A_21 : memref<128xi32, #tpu.memory_space<vmem>>) semaphore(%arg10 : memref<!tpu.dma_semaphore, #tpu.memory_space<semaphore_mem>>)
    %dma_start3A_25 = arith.constant 1 : i32
    %dma_start3A_26 = arith.constant 0 : i32
    %dma_start3A_27 = tpu.memref_slice %arg6[%dma_start3A_25, %dma_start3A_26] : memref<80x128xi32, #tpu.memory_space<vmem>> -> memref<1x128xi32, #tpu.memory_space<vmem>>
    %dma_start3A_28 = tpu.memref_squeeze %dma_start3A_27 : memref<1x128xi32, #tpu.memory_space<vmem>> -> memref<128xi32, #tpu.memory_space<vmem>>
    %dma_start3A_29 = arith.constant 0 : i32
    %dma_start3A_30 = arith.constant 0 : i32
    %dma_start3A_31 = tpu.memref_slice %arg15[%dma_start3A_29, %dma_start3A_30] : memref<10240x64xf32, #tpu.memory_space<vmem_shared>> -> memref<10240x64xf32, #tpu.memory_space<vmem_shared>>
    tpu.enqueue_indirect_dma source(%dma_start3A_31 : memref<10240x64xf32, #tpu.memory_space<vmem_shared>>) target(%arg9 : memref<128x64xf32, #tpu.memory_space<vmem>>) offsets(%dma_start3A_28 : memref<128xi32, #tpu.memory_space<vmem>>) semaphore(%arg11 : memref<!tpu.dma_semaphore, #tpu.memory_space<semaphore_mem>>)
    %scan3A_32 = arith.constant 0 : i32
    %scan3A_33 = arith.constant 0 : i32
    %scan3A_34 = arith.constant 40 : i32
    %scan3A_35 = arith.addi %scan3A_33, %scan3A_34 : i32
    %scan3A_36 = arith.constant 1 : i32
    %scan3A_37 = scf.for %scan3A_40 = %scan3A_33 to %scan3A_35 step %scan3A_36 iter_args(%scan3A_41 = %scan3A_32) -> (i32)  : i32 {
      %mul3A_42 = arith.constant 2 : i32
      %mul3A_43 = arith.muli %mul3A_42, %scan3A_40 : i32
      %add3A_44 = arith.constant 0 : i32
      %add3A_45 = arith.addi %mul3A_43, %add3A_44 : i32
      %dma_wait3A = arith.constant 0 : i32
      %dma_wait3A_46 = tpu.memref_slice %arg6[%add3A_45, %dma_wait3A] : memref<80x128xi32, #tpu.memory_space<vmem>> -> memref<1x128xi32, #tpu.memory_space<vmem>>
      %dma_wait3A_47 = tpu.memref_squeeze %dma_wait3A_46 : memref<1x128xi32, #tpu.memory_space<vmem>> -> memref<128xi32, #tpu.memory_space<vmem>>
      %dma_wait3A_48 = arith.constant 0 : i32
      %dma_wait3A_49 = arith.constant 0 : i32
      %dma_wait3A_50 = tpu.memref_slice %arg15[%dma_wait3A_48, %dma_wait3A_49] : memref<10240x64xf32, #tpu.memory_space<vmem_shared>> -> memref<10240x64xf32, #tpu.memory_space<vmem_shared>>
      tpu.wait_indirect_dma semaphore(%arg10 : memref<!tpu.dma_semaphore, #tpu.memory_space<semaphore_mem>>) src(%dma_wait3A_50 : memref<10240x64xf32, #tpu.memory_space<vmem_shared>>) dst(%arg8 : memref<128x64xf32, #tpu.memory_space<vmem>>)
      %dma_start3A_51 = arith.constant 0 : i32
      %dma_start3A_52 = tpu.memref_slice %arg7[%add3A_45, %dma_start3A_51] : memref<80x128xi32, #tpu.memory_space<vmem>> -> memref<1x128xi32, #tpu.memory_space<vmem>>
      %dma_start3A_53 = tpu.memref_squeeze %dma_start3A_52 : memref<1x128xi32, #tpu.memory_space<vmem>> -> memref<128xi32, #tpu.memory_space<vmem>>
      %dma_start3A_54 = arith.constant 0 : i32
      %dma_start3A_55 = arith.constant 0 : i32
      %dma_start3A_56 = tpu.memref_slice %arg14[%dma_start3A_54, %dma_start3A_55] : memref<10240x64xf32, #tpu.memory_space<vmem_shared>> -> memref<10240x64xf32, #tpu.memory_space<vmem_shared>>
      tpu.enqueue_indirect_dma source(%arg8 : memref<128x64xf32, #tpu.memory_space<vmem>>) target(%dma_start3A_56 : memref<10240x64xf32, #tpu.memory_space<vmem_shared>>) offsets(%dma_start3A_53 : memref<128xi32, #tpu.memory_space<vmem>>) semaphore(%arg12 : memref<!tpu.dma_semaphore, #tpu.memory_space<semaphore_mem>>) {add = true}
      %add3A_57 = arith.constant 1 : i32
      %add3A_58 = arith.addi %mul3A_43, %add3A_57 : i32
      %dma_wait3A_59 = arith.constant 0 : i32
      %dma_wait3A_60 = tpu.memref_slice %arg6[%add3A_58, %dma_wait3A_59] : memref<80x128xi32, #tpu.memory_space<vmem>> -> memref<1x128xi32, #tpu.memory_space<vmem>>
      %dma_wait3A_61 = tpu.memref_squeeze %dma_wait3A_60 : memref<1x128xi32, #tpu.memory_space<vmem>> -> memref<128xi32, #tpu.memory_space<vmem>>
      %dma_wait3A_62 = arith.constant 0 : i32
      %dma_wait3A_63 = arith.constant 0 : i32
      %dma_wait3A_64 = tpu.memref_slice %arg15[%dma_wait3A_62, %dma_wait3A_63] : memref<10240x64xf32, #tpu.memory_space<vmem_shared>> -> memref<10240x64xf32, #tpu.memory_space<vmem_shared>>
      tpu.wait_indirect_dma semaphore(%arg11 : memref<!tpu.dma_semaphore, #tpu.memory_space<semaphore_mem>>) src(%dma_wait3A_64 : memref<10240x64xf32, #tpu.memory_space<vmem_shared>>) dst(%arg9 : memref<128x64xf32, #tpu.memory_space<vmem>>)
      %dma_start3A_65 = arith.constant 0 : i32
      %dma_start3A_66 = tpu.memref_slice %arg7[%add3A_58, %dma_start3A_65] : memref<80x128xi32, #tpu.memory_space<vmem>> -> memref<1x128xi32, #tpu.memory_space<vmem>>
      %dma_start3A_67 = tpu.memref_squeeze %dma_start3A_66 : memref<1x128xi32, #tpu.memory_space<vmem>> -> memref<128xi32, #tpu.memory_space<vmem>>
      %dma_start3A_68 = arith.constant 0 : i32
      %dma_start3A_69 = arith.constant 0 : i32
      %dma_start3A_70 = tpu.memref_slice %arg14[%dma_start3A_68, %dma_start3A_69] : memref<10240x64xf32, #tpu.memory_space<vmem_shared>> -> memref<10240x64xf32, #tpu.memory_space<vmem_shared>>
      tpu.enqueue_indirect_dma source(%arg9 : memref<128x64xf32, #tpu.memory_space<vmem>>) target(%dma_start3A_70 : memref<10240x64xf32, #tpu.memory_space<vmem_shared>>) offsets(%dma_start3A_67 : memref<128xi32, #tpu.memory_space<vmem>>) semaphore(%arg13 : memref<!tpu.dma_semaphore, #tpu.memory_space<semaphore_mem>>) {add = true}
      %add3A_71 = arith.constant 0 : i32
      %add3A_72 = arith.addi %mul3A_43, %add3A_71 : i32
      %dma_wait3A_73 = arith.constant 0 : i32
      %dma_wait3A_74 = tpu.memref_slice %arg7[%add3A_72, %dma_wait3A_73] : memref<80x128xi32, #tpu.memory_space<vmem>> -> memref<1x128xi32, #tpu.memory_space<vmem>>
      %dma_wait3A_75 = tpu.memref_squeeze %dma_wait3A_74 : memref<1x128xi32, #tpu.memory_space<vmem>> -> memref<128xi32, #tpu.memory_space<vmem>>
      %dma_wait3A_76 = arith.constant 0 : i32
      %dma_wait3A_77 = arith.constant 0 : i32
      %dma_wait3A_78 = tpu.memref_slice %arg14[%dma_wait3A_76, %dma_wait3A_77] : memref<10240x64xf32, #tpu.memory_space<vmem_shared>> -> memref<10240x64xf32, #tpu.memory_space<vmem_shared>>
      tpu.wait_indirect_dma semaphore(%arg12 : memref<!tpu.dma_semaphore, #tpu.memory_space<semaphore_mem>>) src(%arg8 : memref<128x64xf32, #tpu.memory_space<vmem>>) dst(%dma_wait3A_78 : memref<10240x64xf32, #tpu.memory_space<vmem_shared>>)
      %add3A_79 = arith.constant 2 : i32
      %add3A_80 = arith.addi %add3A_72, %add3A_79 : i32
      %lt3A = arith.constant 80 : i32
      %lt3A_81 = arith.cmpi slt, %add3A_80, %lt3A : i32
      %convert_element_type3A = arith.extui %lt3A_81 : i1 to i32
      %cond3A = arith.constant 0 : i32
      %cond3A_82 = arith.cmpi ne, %convert_element_type3A, %cond3A : i32
      scf.if %cond3A_82 {
        %add3A_99 = arith.constant 2 : i32
        %add3A_100 = arith.addi %add3A_72, %add3A_99 : i32
        %dma_start3A_101 = arith.constant 0 : i32
        %dma_start3A_102 = tpu.memref_slice %arg6[%add3A_100, %dma_start3A_101] : memref<80x128xi32, #tpu.memory_space<vmem>> -> memref<1x128xi32, #tpu.memory_space<vmem>>
        %dma_start3A_103 = tpu.memref_squeeze %dma_start3A_102 : memref<1x128xi32, #tpu.memory_space<vmem>> -> memref<128xi32, #tpu.memory_space<vmem>>
        %dma_start3A_104 = arith.constant 0 : i32
        %dma_start3A_105 = arith.constant 0 : i32
        %dma_start3A_106 = tpu.memref_slice %arg15[%dma_start3A_104, %dma_start3A_105] : memref<10240x64xf32, #tpu.memory_space<vmem_shared>> -> memref<10240x64xf32, #tpu.memory_space<vmem_shared>>
        tpu.enqueue_indirect_dma source(%dma_start3A_106 : memref<10240x64xf32, #tpu.memory_space<vmem_shared>>) target(%arg8 : memref<128x64xf32, #tpu.memory_space<vmem>>) offsets(%dma_start3A_103 : memref<128xi32, #tpu.memory_space<vmem>>) semaphore(%arg10 : memref<!tpu.dma_semaphore, #tpu.memory_space<semaphore_mem>>)
      } else {
      }
      %add3A_83 = arith.constant 1 : i32
      %add3A_84 = arith.addi %mul3A_43, %add3A_83 : i32
      %dma_wait3A_85 = arith.constant 0 : i32
      %dma_wait3A_86 = tpu.memref_slice %arg7[%add3A_84, %dma_wait3A_85] : memref<80x128xi32, #tpu.memory_space<vmem>> -> memref<1x128xi32, #tpu.memory_space<vmem>>
      %dma_wait3A_87 = tpu.memref_squeeze %dma_wait3A_86 : memref<1x128xi32, #tpu.memory_space<vmem>> -> memref<128xi32, #tpu.memory_space<vmem>>
      %dma_wait3A_88 = arith.constant 0 : i32
      %dma_wait3A_89 = arith.constant 0 : i32
      %dma_wait3A_90 = tpu.memref_slice %arg14[%dma_wait3A_88, %dma_wait3A_89] : memref<10240x64xf32, #tpu.memory_space<vmem_shared>> -> memref<10240x64xf32, #tpu.memory_space<vmem_shared>>
      tpu.wait_indirect_dma semaphore(%arg13 : memref<!tpu.dma_semaphore, #tpu.memory_space<semaphore_mem>>) src(%arg9 : memref<128x64xf32, #tpu.memory_space<vmem>>) dst(%dma_wait3A_90 : memref<10240x64xf32, #tpu.memory_space<vmem_shared>>)
      %add3A_91 = arith.constant 2 : i32
      %add3A_92 = arith.addi %add3A_84, %add3A_91 : i32
      %lt3A_93 = arith.constant 80 : i32
      %lt3A_94 = arith.cmpi slt, %add3A_92, %lt3A_93 : i32
      %convert_element_type3A_95 = arith.extui %lt3A_94 : i1 to i32
      %cond3A_96 = arith.constant 0 : i32
      %cond3A_97 = arith.cmpi ne, %convert_element_type3A_95, %cond3A_96 : i32
      scf.if %cond3A_97 {
        %add3A_99 = arith.constant 2 : i32
        %add3A_100 = arith.addi %add3A_84, %add3A_99 : i32
        %dma_start3A_101 = arith.constant 0 : i32
        %dma_start3A_102 = tpu.memref_slice %arg6[%add3A_100, %dma_start3A_101] : memref<80x128xi32, #tpu.memory_space<vmem>> -> memref<1x128xi32, #tpu.memory_space<vmem>>
        %dma_start3A_103 = tpu.memref_squeeze %dma_start3A_102 : memref<1x128xi32, #tpu.memory_space<vmem>> -> memref<128xi32, #tpu.memory_space<vmem>>
        %dma_start3A_104 = arith.constant 0 : i32
        %dma_start3A_105 = arith.constant 0 : i32
        %dma_start3A_106 = tpu.memref_slice %arg15[%dma_start3A_104, %dma_start3A_105] : memref<10240x64xf32, #tpu.memory_space<vmem_shared>> -> memref<10240x64xf32, #tpu.memory_space<vmem_shared>>
        tpu.enqueue_indirect_dma source(%dma_start3A_106 : memref<10240x64xf32, #tpu.memory_space<vmem_shared>>) target(%arg9 : memref<128x64xf32, #tpu.memory_space<vmem>>) offsets(%dma_start3A_103 : memref<128xi32, #tpu.memory_space<vmem>>) semaphore(%arg11 : memref<!tpu.dma_semaphore, #tpu.memory_space<semaphore_mem>>)
      } else {
      }
      %scan3A_98 = arith.constant 0 : i32
      scf.yield %scan3A_98 : i32
    }
    %scan3A_38 = arith.constant 40 : i32
    %barrier3A_39 = arith.constant 0 : index
    tpu.barrier barrier_id(%barrier3A_39)
    "tpu.region"() ({
      %run_scoped3A = tpu.sem_alloc : memref<!tpu.dma_semaphore, #tpu.memory_space<semaphore_mem>>
      %dma_start3A_40 = arith.constant 0 : i32
      %dma_start3A_41 = tpu.memref_slice %arg5[%arg0, %mul3A_8, %dma_start3A_40] : memref<2x10240x64xf32, #tpu.memory_space<hbm>> -> memref<1x640x64xf32, #tpu.memory_space<hbm>>
      %dma_start3A_42 = tpu.memref_squeeze %dma_start3A_41 : memref<1x640x64xf32, #tpu.memory_space<hbm>> -> memref<640x64xf32, #tpu.memory_space<hbm>>
      %dma_start3A_43 = arith.constant 0 : i32
      %dma_start3A_44 = tpu.memref_slice %arg14[%mul3A_8, %dma_start3A_43] : memref<10240x64xf32, #tpu.memory_space<vmem_shared>> -> memref<640x64xf32, #tpu.memory_space<vmem_shared>>
      tpu.enqueue_dma source(%dma_start3A_44 : memref<640x64xf32, #tpu.memory_space<vmem_shared>>) target(%dma_start3A_42 : memref<640x64xf32, #tpu.memory_space<hbm>>) target_semaphore(%run_scoped3A : memref<!tpu.dma_semaphore, #tpu.memory_space<semaphore_mem>>)
      %dma_wait3A = arith.constant 0 : i32
      %dma_wait3A_45 = tpu.memref_slice %arg5[%arg0, %mul3A_8, %dma_wait3A] : memref<2x10240x64xf32, #tpu.memory_space<hbm>> -> memref<1x640x64xf32, #tpu.memory_space<hbm>>
      %dma_wait3A_46 = tpu.memref_squeeze %dma_wait3A_45 : memref<1x640x64xf32, #tpu.memory_space<hbm>> -> memref<640x64xf32, #tpu.memory_space<hbm>>
      %dma_wait3A_47 = arith.constant 0 : i32
      %dma_wait3A_48 = tpu.memref_slice %arg14[%mul3A_8, %dma_wait3A_47] : memref<10240x64xf32, #tpu.memory_space<vmem_shared>> -> memref<640x64xf32, #tpu.memory_space<vmem_shared>>
      tpu.wait_dma2 semaphore(%run_scoped3A : memref<!tpu.dma_semaphore, #tpu.memory_space<semaphore_mem>>) src(%dma_wait3A_48 : memref<640x64xf32, #tpu.memory_space<vmem_shared>>) dst(%dma_wait3A_46 : memref<640x64xf32, #tpu.memory_space<hbm>>)
      tpu.yield
    }) : () -> ()
    return
  }
}

module attributes {stable_mosaic.version = 14 : i64} {
  func.func @_tc1(%arg0: memref<5120x256xf32, #tpu.memory_space<vmem>>, %arg1: memref<256x128xf32, #tpu.memory_space<vmem>>, %arg2: memref<2x5120x128xf32, #tpu.memory_space<vmem>>, %arg3: memref<5120x128xf32, #tpu.memory_space<vmem>>, %arg4: memref<5120x128xf32, #tpu.memory_space<vmem>>) attributes {dimension_semantics = [], scalar_prefetch = 0 : i64, scratch_operands = 0 : i64, tpu.core_type = #tpu.core_type<tc>} {
    %get3A = arith.constant 0 : index
    %get3A_0 = arith.constant 0 : index
    %get3A_1 = arith.constant 0 : index
    %get3A_2 = vector.load %arg2[%get3A, %get3A_0, %get3A_1] : memref<2x5120x128xf32, #tpu.memory_space<vmem>>, vector<1x5120x128xf32>
    %get3A_3 = vector.shape_cast %get3A_2 : vector<1x5120x128xf32> to vector<5120x128xf32>
    %get3A_4 = arith.constant 1 : index
    %get3A_5 = arith.constant 0 : index
    %get3A_6 = arith.constant 0 : index
    %get3A_7 = vector.load %arg2[%get3A_4, %get3A_5, %get3A_6] : memref<2x5120x128xf32, #tpu.memory_space<vmem>>, vector<1x5120x128xf32>
    %get3A_8 = vector.shape_cast %get3A_7 : vector<1x5120x128xf32> to vector<5120x128xf32>
    %add3A = arith.addf %get3A_3, %get3A_8 : vector<5120x128xf32>
    %add3A_9 = arith.constant 1.000000e+00 : f32
    %add3A_10 = vector.broadcast %add3A_9 : f32 to vector<5120x128xf32>
    %add3A_11 = arith.addf %add3A, %add3A_10 : vector<5120x128xf32>
    %rsqrt3A = math.rsqrt %add3A_11 : vector<5120x128xf32>
    %get3A_12 = arith.constant 0 : index
    %get3A_13 = arith.constant 0 : index
    %get3A_14 = vector.load %arg0[%get3A_12, %get3A_13] : memref<5120x256xf32, #tpu.memory_space<vmem>>, vector<5120x256xf32>
    %get3A_15 = arith.constant 0 : index
    %get3A_16 = arith.constant 0 : index
    %get3A_17 = vector.load %arg1[%get3A_15, %get3A_16] : memref<256x128xf32, #tpu.memory_space<vmem>>, vector<256x128xf32>
    %dot_general3A = arith.constant dense<0.000000e+00> : vector<5120x128xf32>
    %dot_general3A_18 = tpu.matmul %get3A_14, %get3A_17, %dot_general3A {dimension_numbers = #tpu.dot_dimension_numbers<[1], [0], [0], [1], [0, 0, 1, 1], [], []>, transpose_lhs_hint = false} : vector<5120x256xf32>, vector<256x128xf32>, vector<5120x128xf32> -> vector<5120x128xf32>
    %mul3A = arith.mulf %dot_general3A_18, %rsqrt3A : vector<5120x128xf32>
    %swap3A = arith.constant 0 : index
    %swap3A_19 = arith.constant 0 : index
    %swap3A_20 = vector.load %arg3[%swap3A, %swap3A_19] : memref<5120x128xf32, #tpu.memory_space<vmem>>, vector<5120x128xf32>
    tpu.vector_store %arg3[%swap3A, %swap3A_19], %mul3A {strides = array<i32>} : memref<5120x128xf32, #tpu.memory_space<vmem>>, vector<5120x128xf32>,
    %swap3A_21 = arith.constant 0 : index
    %swap3A_22 = arith.constant 0 : index
    %swap3A_23 = vector.load %arg4[%swap3A_21, %swap3A_22] : memref<5120x128xf32, #tpu.memory_space<vmem>>, vector<5120x128xf32>
    tpu.vector_store %arg4[%swap3A_21, %swap3A_22], %rsqrt3A {strides = array<i32>} : memref<5120x128xf32, #tpu.memory_space<vmem>>, vector<5120x128xf32>,
    return
  }
}

module attributes {stable_mosaic.version = 14 : i64} {
  func.func @_tc2(%arg0: memref<2x5120x128xf32, #tpu.memory_space<vmem>>, %arg1: memref<5120x128xf32, #tpu.memory_space<vmem>>, %arg2: memref<5120x128xf32, #tpu.memory_space<vmem>>, %arg3: memref<1x128xf32, #tpu.memory_space<vmem>>, %arg4: memref<1x128xf32, #tpu.memory_space<vmem>>, %arg5: memref<1x128xf32, #tpu.memory_space<vmem>>, %arg6: memref<128x128xf32, #tpu.memory_space<vmem>>, %arg7: memref<5120x128xf32, #tpu.memory_space<vmem>>) attributes {dimension_semantics = [], scalar_prefetch = 0 : i64, scratch_operands = 0 : i64, tpu.core_type = #tpu.core_type<tc>} {
    %get3A = arith.constant 0 : index
    %get3A_0 = arith.constant 0 : index
    %get3A_1 = vector.load %arg2[%get3A, %get3A_0] : memref<5120x128xf32, #tpu.memory_space<vmem>>, vector<5120x128xf32>
    %iota3A = tpu.iota {dimensions = array<i32: 0>} : vector<5120x128xi32>
    %iota3A_2 = tpu.iota {dimensions = array<i32: 1>} : vector<5120x128xi32>
    %mul3A = arith.constant 2 : i32
    %mul3A_3 = vector.broadcast %mul3A : i32 to vector<5120x128xi32>
    %mul3A_4 = arith.muli %mul3A_3, %iota3A : vector<5120x128xi32>
    %jit3A = arith.constant 64 : i32
    %div3A = vector.broadcast %jit3A : i32 to vector<5120x128xi32>
    %div3A_5 = arith.divsi %iota3A_2, %div3A : vector<5120x128xi32>
    %sign3A = arith.constant 0 : i32
    %sign3A_6 = vector.broadcast %sign3A : i32 to vector<5120x128xi32>
    %sign3A_7 = arith.cmpi sgt, %iota3A_2, %sign3A_6 : vector<5120x128xi32>
    %sign3A_8 = arith.extui %sign3A_7 : vector<5120x128xi1> to vector<5120x128xi32>
    %sign3A_9 = arith.constant 0 : i32
    %sign3A_10 = vector.broadcast %sign3A_9 : i32 to vector<5120x128xi32>
    %sign3A_11 = arith.cmpi slt, %iota3A_2, %sign3A_10 : vector<5120x128xi32>
    %sign3A_12 = arith.extui %sign3A_11 : vector<5120x128xi1> to vector<5120x128xi32>
    %sign3A_13 = arith.subi %sign3A_8, %sign3A_12 : vector<5120x128xi32>
    %sign3A_14 = arith.constant 0 : i32
    %sign3A_15 = arith.cmpi sgt, %jit3A, %sign3A_14 : i32
    %sign3A_16 = arith.extui %sign3A_15 : i1 to i32
    %sign3A_17 = arith.constant 0 : i32
    %sign3A_18 = arith.cmpi slt, %jit3A, %sign3A_17 : i32
    %sign3A_19 = arith.extui %sign3A_18 : i1 to i32
    %sign3A_20 = arith.subi %sign3A_16, %sign3A_19 : i32
    %ne3A = vector.broadcast %sign3A_20 : i32 to vector<5120x128xi32>
    %ne3A_21 = arith.cmpi ne, %sign3A_13, %ne3A : vector<5120x128xi32>
    %rem3A = vector.broadcast %jit3A : i32 to vector<5120x128xi32>
    %rem3A_22 = arith.remsi %iota3A_2, %rem3A : vector<5120x128xi32>
    %ne3A_23 = arith.constant 0 : i32
    %ne3A_24 = vector.broadcast %ne3A_23 : i32 to vector<5120x128xi32>
    %ne3A_25 = arith.cmpi ne, %rem3A_22, %ne3A_24 : vector<5120x128xi32>
    %and3A = arith.andi %ne3A_21, %ne3A_25 : vector<5120x128xi1>
    %sub3A = arith.constant 1 : i32
    %sub3A_26 = vector.broadcast %sub3A : i32 to vector<5120x128xi32>
    %sub3A_27 = arith.subi %div3A_5, %sub3A_26 : vector<5120x128xi32>
    %select_n3A = arith.select %and3A, %sub3A_27, %div3A_5 : vector<5120x128xi1>, vector<5120x128xi32>
    %add3A = arith.addi %mul3A_4, %select_n3A : vector<5120x128xi32>
    %lt3A = arith.constant 10000 : i32
    %lt3A_28 = vector.broadcast %lt3A : i32 to vector<5120x128xi32>
    %lt3A_29 = arith.cmpi slt, %add3A, %lt3A_28 : vector<5120x128xi32>
    %jit3A_30 = arith.constant 1.000000e+00 : f32
    %jit3A_31 = arith.constant 0.000000e+00 : f32
    %broadcast_in_dim3A = vector.broadcast %jit3A_30 : f32 to vector<5120x128xf32>
    %broadcast_in_dim3A_32 = vector.broadcast %jit3A_31 : f32 to vector<5120x128xf32>
    %select_n3A_33 = arith.select %lt3A_29, %broadcast_in_dim3A, %broadcast_in_dim3A_32 : vector<5120x128xi1>, vector<5120x128xf32>
    %get3A_34 = arith.constant 0 : index
    %get3A_35 = arith.constant 0 : index
    %get3A_36 = arith.constant 0 : index
    %get3A_37 = vector.load %arg0[%get3A_34, %get3A_35, %get3A_36] : memref<2x5120x128xf32, #tpu.memory_space<vmem>>, vector<1x5120x128xf32>
    %get3A_38 = vector.shape_cast %get3A_37 : vector<1x5120x128xf32> to vector<5120x128xf32>
    %get3A_39 = arith.constant 1 : index
    %get3A_40 = arith.constant 0 : index
    %get3A_41 = arith.constant 0 : index
    %get3A_42 = vector.load %arg0[%get3A_39, %get3A_40, %get3A_41] : memref<2x5120x128xf32, #tpu.memory_space<vmem>>, vector<1x5120x128xf32>
    %get3A_43 = vector.shape_cast %get3A_42 : vector<1x5120x128xf32> to vector<5120x128xf32>
    %add3A_44 = arith.addf %get3A_38, %get3A_43 : vector<5120x128xf32>
    %get3A_45 = arith.constant 0 : index
    %get3A_46 = arith.constant 0 : index
    %get3A_47 = vector.load %arg1[%get3A_45, %get3A_46] : memref<5120x128xf32, #tpu.memory_space<vmem>>, vector<5120x128xf32>
    %add3A_48 = arith.addf %add3A_44, %get3A_47 : vector<5120x128xf32>
    %mul3A_49 = arith.mulf %add3A_48, %get3A_1 : vector<5120x128xf32>
    %get3A_50 = arith.constant 0 : index
    %get3A_51 = arith.constant 0 : index
    %get3A_52 = vector.load %arg5[%get3A_50, %get3A_51] : memref<1x128xf32, #tpu.memory_space<vmem>>, vector<1x128xf32>
    %add3A_53 = vector.broadcast %get3A_52 : vector<1x128xf32> to vector<5120x128xf32>
    %add3A_54 = arith.addf %mul3A_49, %add3A_53 : vector<5120x128xf32>
    %mul3A_55 = arith.mulf %add3A_54, %select_n3A_33 : vector<5120x128xf32>
    %reduce_sum3A = arith.constant dense<0.000000e+00> : vector<128xf32>
    %reduce_sum3A_56 = vector.multi_reduction <add>, %mul3A_55, %reduce_sum3A [0] : vector<5120x128xf32> to vector<128xf32>
    %broadcast_in_dim3A_57 = vector.shape_cast %reduce_sum3A_56 : vector<128xf32> to vector<1x128xf32>
    %mul3A_58 = arith.constant 9.99999974E-5 : f32
    %mul3A_59 = vector.broadcast %mul3A_58 : f32 to vector<1x128xf32>
    %mul3A_60 = arith.mulf %broadcast_in_dim3A_57, %mul3A_59 : vector<1x128xf32>
    %slice3A = vector.extract_strided_slice %mul3A_60 {offsets = [0, 0], sizes = [1, 64], strides = [1, 1]} : vector<1x128xf32> to vector<1x64xf32>
    %slice3A_61 = vector.extract_strided_slice %mul3A_60 {offsets = [0, 64], sizes = [1, 64], strides = [1, 1]} : vector<1x128xf32> to vector<1x64xf32>
    %add3A_62 = arith.addf %slice3A, %slice3A_61 : vector<1x64xf32>
    %concatenate3A = tpu.concatenate %add3A_62, %add3A_62 in 1 : vector<1x64xf32>, vector<1x64xf32> -> vector<1x128xf32>
    %mul3A_63 = arith.mulf %mul3A_55, %mul3A_55 : vector<5120x128xf32>
    %reduce_sum3A_64 = arith.constant dense<0.000000e+00> : vector<128xf32>
    %reduce_sum3A_65 = vector.multi_reduction <add>, %mul3A_63, %reduce_sum3A_64 [0] : vector<5120x128xf32> to vector<128xf32>
    %broadcast_in_dim3A_66 = vector.shape_cast %reduce_sum3A_65 : vector<128xf32> to vector<1x128xf32>
    %mul3A_67 = arith.constant 9.99999974E-5 : f32
    %mul3A_68 = vector.broadcast %mul3A_67 : f32 to vector<1x128xf32>
    %mul3A_69 = arith.mulf %broadcast_in_dim3A_66, %mul3A_68 : vector<1x128xf32>
    %slice3A_70 = vector.extract_strided_slice %mul3A_69 {offsets = [0, 0], sizes = [1, 64], strides = [1, 1]} : vector<1x128xf32> to vector<1x64xf32>
    %slice3A_71 = vector.extract_strided_slice %mul3A_69 {offsets = [0, 64], sizes = [1, 64], strides = [1, 1]} : vector<1x128xf32> to vector<1x64xf32>
    %add3A_72 = arith.addf %slice3A_70, %slice3A_71 : vector<1x64xf32>
    %concatenate3A_73 = tpu.concatenate %add3A_72, %add3A_72 in 1 : vector<1x64xf32>, vector<1x64xf32> -> vector<1x128xf32>
    %mul3A_74 = arith.mulf %concatenate3A, %concatenate3A : vector<1x128xf32>
    %sub3A_75 = arith.subf %concatenate3A_73, %mul3A_74 : vector<1x128xf32>
    %get3A_76 = arith.constant 0 : index
    %get3A_77 = arith.constant 0 : index
    %get3A_78 = vector.load %arg3[%get3A_76, %get3A_77] : memref<1x128xf32, #tpu.memory_space<vmem>>, vector<1x128xf32>
    %sub3A_79 = vector.broadcast %concatenate3A : vector<1x128xf32> to vector<5120x128xf32>
    %sub3A_80 = arith.subf %mul3A_55, %sub3A_79 : vector<5120x128xf32>
    %mul3A_81 = vector.broadcast %get3A_78 : vector<1x128xf32> to vector<5120x128xf32>
    %mul3A_82 = arith.mulf %mul3A_81, %sub3A_80 : vector<5120x128xf32>
    %add3A_83 = arith.constant 9.99999974E-6 : f32
    %add3A_84 = vector.broadcast %add3A_83 : f32 to vector<1x128xf32>
    %add3A_85 = arith.addf %sub3A_75, %add3A_84 : vector<1x128xf32>
    %rsqrt3A = math.rsqrt %add3A_85 : vector<1x128xf32>
    %mul3A_86 = vector.broadcast %rsqrt3A : vector<1x128xf32> to vector<5120x128xf32>
    %mul3A_87 = arith.mulf %mul3A_82, %mul3A_86 : vector<5120x128xf32>
    %get3A_88 = arith.constant 0 : index
    %get3A_89 = arith.constant 0 : index
    %get3A_90 = vector.load %arg4[%get3A_88, %get3A_89] : memref<1x128xf32, #tpu.memory_space<vmem>>, vector<1x128xf32>
    %add3A_91 = vector.broadcast %get3A_90 : vector<1x128xf32> to vector<5120x128xf32>
    %add3A_92 = arith.addf %mul3A_87, %add3A_91 : vector<5120x128xf32>
    %max3A = arith.constant 0.000000e+00 : f32
    %max3A_93 = vector.broadcast %max3A : f32 to vector<5120x128xf32>
    %max3A_94 = arith.maximumf %add3A_92, %max3A_93 : vector<5120x128xf32>
    %mul3A_95 = arith.mulf %max3A_94, %select_n3A_33 : vector<5120x128xf32>
    %get3A_96 = arith.constant 0 : index
    %get3A_97 = arith.constant 0 : index
    %get3A_98 = vector.load %arg6[%get3A_96, %get3A_97] : memref<128x128xf32, #tpu.memory_space<vmem>>, vector<128x128xf32>
    %dot_general3A = arith.constant dense<0.000000e+00> : vector<5120x128xf32>
    %dot_general3A_99 = tpu.matmul %mul3A_95, %get3A_98, %dot_general3A {dimension_numbers = #tpu.dot_dimension_numbers<[1], [0], [0], [1], [0, 0, 1, 1], [], []>, transpose_lhs_hint = false} : vector<5120x128xf32>, vector<128x128xf32>, vector<5120x128xf32> -> vector<5120x128xf32>
    %mul3A_100 = arith.mulf %dot_general3A_99, %get3A_1 : vector<5120x128xf32>
    %swap3A = arith.constant 0 : index
    %swap3A_101 = arith.constant 0 : index
    %swap3A_102 = vector.load %arg7[%swap3A, %swap3A_101] : memref<5120x128xf32, #tpu.memory_space<vmem>>, vector<5120x128xf32>
    tpu.vector_store %arg7[%swap3A, %swap3A_101], %mul3A_100 {strides = array<i32>} : memref<5120x128xf32, #tpu.memory_space<vmem>>, vector<5120x128xf32>,
    return
  }
}

module attributes {stable_mosaic.version = 14 : i64} {
  func.func @_tc3(%arg0: memref<2x5120x128xf32, #tpu.memory_space<vmem>>, %arg1: memref<5120x128xf32, #tpu.memory_space<vmem>>, %arg2: memref<5120x128xf32, #tpu.memory_space<vmem>>, %arg3: memref<1x128xf32, #tpu.memory_space<vmem>>, %arg4: memref<5000x128xf32, #tpu.memory_space<vmem>>) attributes {dimension_semantics = [], scalar_prefetch = 0 : i64, scratch_operands = 0 : i64, tpu.core_type = #tpu.core_type<tc>} {
    %get3A = arith.constant 0 : index
    %get3A_0 = arith.constant 0 : index
    %get3A_1 = arith.constant 0 : index
    %get3A_2 = vector.load %arg0[%get3A, %get3A_0, %get3A_1] : memref<2x5120x128xf32, #tpu.memory_space<vmem>>, vector<1x5000x128xf32>
    %get3A_3 = vector.shape_cast %get3A_2 : vector<1x5000x128xf32> to vector<5000x128xf32>
    %get3A_4 = arith.constant 1 : index
    %get3A_5 = arith.constant 0 : index
    %get3A_6 = arith.constant 0 : index
    %get3A_7 = vector.load %arg0[%get3A_4, %get3A_5, %get3A_6] : memref<2x5120x128xf32, #tpu.memory_space<vmem>>, vector<1x5000x128xf32>
    %get3A_8 = vector.shape_cast %get3A_7 : vector<1x5000x128xf32> to vector<5000x128xf32>
    %add3A = arith.addf %get3A_3, %get3A_8 : vector<5000x128xf32>
    %get3A_9 = arith.constant 0 : index
    %get3A_10 = arith.constant 0 : index
    %get3A_11 = vector.load %arg1[%get3A_9, %get3A_10] : memref<5120x128xf32, #tpu.memory_space<vmem>>, vector<5000x128xf32>
    %add3A_12 = arith.addf %add3A, %get3A_11 : vector<5000x128xf32>
    %get3A_13 = arith.constant 0 : index
    %get3A_14 = arith.constant 0 : index
    %get3A_15 = vector.load %arg2[%get3A_13, %get3A_14] : memref<5120x128xf32, #tpu.memory_space<vmem>>, vector<5000x128xf32>
    %mul3A = arith.mulf %add3A_12, %get3A_15 : vector<5000x128xf32>
    %get3A_16 = arith.constant 0 : index
    %get3A_17 = arith.constant 0 : index
    %get3A_18 = vector.load %arg3[%get3A_16, %get3A_17] : memref<1x128xf32, #tpu.memory_space<vmem>>, vector<1x128xf32>
    %add3A_19 = vector.broadcast %get3A_18 : vector<1x128xf32> to vector<5000x128xf32>
    %add3A_20 = arith.addf %mul3A, %add3A_19 : vector<5000x128xf32>
    %swap3A = arith.constant 0 : index
    %swap3A_21 = arith.constant 0 : index
    %swap3A_22 = vector.load %arg4[%swap3A, %swap3A_21] : memref<5000x128xf32, #tpu.memory_space<vmem>>, vector<5000x128xf32>
    tpu.vector_store %arg4[%swap3A, %swap3A_21], %add3A_20 {strides = array<i32>} : memref<5000x128xf32, #tpu.memory_space<vmem>>, vector<5000x128xf32>,
    return
  }
}

</mosaic_0001>

<sc_bundles>
// kernel: kernel.11.cloned.1.call-start
scs
__scs_entry_jumppad:
0x0: {  	(pc) =	sbr.rel $0x88, $3  }
0x1: {  	(tag) =	ssettag $0x0;
	lr =	simm.s32 $0x1  }
0x2: {  	[smem:$0x3F99] =	sst lr;
	_ =	strace $0xD0000000  }
0x3: {  	_ = 	snop  }
0x4: {  	_ = 	snop  }
0x5: {  	_ = 	snop  }
0x6: {  	_ = 	snop  }
0x7: {  	_ = 	snop  }
__scs_overlays_trampoline_lowered:
0x8: {  	[smem:$0x3FA8] =	sst s0  }
0x9: {  	[smem:$0x3FA9] =	sst s1  }
0xa: {  	[smem:$0x3FAA] =	sst s2  }
0xb: {  	[smem:$0x3FAB] =	sst s3  }
0xc: {  	[smem:$0x3FAC] =	sst s4  }
0xd: {  	[smem:$0x3FAD] =	sst s5  }
0xe: {  	[smem:$0x3FAE] =	sst s6  }
0xf: {  	[smem:$0x3FAF] =	sst s7  }
0x10: {  	[smem:$0x3FB0] =	sst s8  }
0x11: {  	[smem:$0x3FB1] =	sst s9;
	s0 =	simm.s32 @!p0 $0x0  }
0x12: {  	s1 =	sld [smem:$0x3F97];
	s0 =	simm.s32 @p0 $0x1  }
0x13: {  	[smem:$0x3FB2] =	sst s0;
	s0 =	simm.s32 @!p1 $0x0  }
0x14: {  	s2 =	sld [smem:$0x3F96];
	s0 =	simm.s32 @p1 $0x1  }
0x15: {  	[smem:$0x3FB3] =	sst s0;
	s0 =	simm.s32 @!p2 $0x0  }
0x16: {  	s3 =	sld [smem:$0x3FDB];
	s0 =	simm.s32 @p2 $0x1  }
0x17: {  	s4 =	simm.s32 $0x1BF5;
	[smem:$0x3FB5] =	sst s0  }
0x18: {  	s0 =	sld [smem:$0x3F98];
	_ =	swait.ge [sflag:s4], $0x0  }
0x19: {  	s7 =	sld [smem:$0x3F99]  }
0x1a: {  	s8 =	sadd.s32 $0xFFFFE003, lr  }
0x1b: {  	s9 =	sadd.s32 $0xFFFFFEF7, lr;
	s5 =	simm.s32 $0xFFFFFFFF;
	p2 =	slt.u32 s8, $0xFFFFF086  }
0x1c: {  	p1 =	slt.u32 s9, $0xF7A;
	s5 =	simm.s32 @!p2 $0x0  }
0x1d: {  	s5 =	simm.s32 @p1 $0x1;
	p0 =	seq.s32 s7, s2  }
0x1e: {  	s7 =	smul.u32 @!p0 $0xF7A, s2;
	p2 =	seq.s32 @!p0 s5, $0x0  }
0x1f: {  	s9 =	smul.u32 $0xF7A, s1;
	s8 =	simm.s32 @!p0 $0x1BF5;
	p2 =	por !p2, p0  }
0x20: {  	[sflag:s8] =	ssyncset.s32 @!p0 $0xFFFFF086;
	s6 =	sadd.s32 @!p0 s3, s7;
	s7 =	simm.s32 @!p0 $0x108  }
0x21: {  	s3 =	sadd.s32 s3, s9;
	s6 =	sadd.s32 @!p0 $0x88, s6;
	s7 =	simm.s32 @p2 $0x1082  }
0x22: {  	[simem:s7], [sflag:s8] =	dma.local @!p0 [hbm:s6], $0xF7A  }
0x23: {  	s9 =	sor.u32 $0xD0000000, s2;
	s6 =	simm.s32 $0x108;
	_ =	swait.ge @!p0 [sflag:s8], $0x0  }
0x24: {  	s3 =	sadd.s32 $0x88, s3;
	s6 =	simm.s32 @!p1 $0x1082;
	[sflag:s4] =	ssyncset.s32 $0xFFFFF086  }
0x25: {  	[simem:s6], [sflag:s4] =	dma.local [hbm:s3], $0xF7A  }
0x26: {  	[smem:$0x3F99] =	sst s1;
	(tag) =	ssettag s2;
	_ =	strace s9  }
0x27: {  	s1 =	sld [smem:$0x3FA9]  }
0x28: {  	s2 =	sld [smem:$0x3FAA]  }
0x29: {  	s4 =	sld [smem:$0x3FAC]  }
0x2a: {  	p0 =	seq.s32 s5, $0x0;
	s5 =	sld [smem:$0x3FAD]  }
0x2b: {  	s6 =	sld [smem:$0x3FAE]  }
0x2c: {  	s7 =	sld [smem:$0x3FAF]  }
0x2d: {  	s3 =	simm.s32 $0x108;
	s8 =	sld [smem:$0x3FB0]  }
0x2e: {  	s3 =	simm.s32 @!p0 $0x1082;
	s9 =	sld [smem:$0x3FB1]  }
0x2f: {  	lr =	sadd.s32 s0, s3;
	s0 =	sld [smem:$0x3FA8]  }
0x30: {  	s3 =	sld [smem:$0x3FAB]  }
0x31: {  	[smem:$0x3FB4] =	sst s10  }
0x32: {  	s10 =	sld [smem:$0x3FB2];
	_ =	sdelay $0x3  }
0x33: {  	p0 =	seq.s32 s10, $0x1;
	s10 =	sld [smem:$0x3FB4];
	_ =	sdelay $0x3  }
0x34: {  	[smem:$0x3FB4] =	sst s10  }
0x35: {  	s10 =	sld [smem:$0x3FB3];
	_ =	sdelay $0x3  }
0x36: {  	p1 =	seq.s32 s10, $0x1;
	s10 =	sld [smem:$0x3FB4];
	_ =	sdelay $0x3  }
0x37: {  	[smem:$0x3FB4] =	sst s10  }
0x38: {  	s10 =	sld [smem:$0x3FB5]  }
0x39: {  	_ = 	snop;
	(pc) =	sbr.ind lr, $3  }
0x3a: {  	_ = 	snop  }
0x3b: {  	_ = 	snop  }
0x3c: {  	p2 =	seq.s32 s10, $0x1;
	s10 =	sld [smem:$0x3FB4]  }
0x3d: {  	_ =	shalt  }
0x3e: {  	_ =	shalt  }
0x3f: {  	_ =	shalt  }
0x40: {  	_ =	shalt  }
0x41: {  	_ =	shalt  }
0x42: {  	_ =	shalt  }
0x43: {  	_ =	shalt  }
0x44: {  	_ =	shalt  }
0x45: {  	_ =	shalt  }
0x46: {  	_ =	shalt  }
0x47: {  	_ =	shalt  }
0x48: {  	_ =	shalt  }
0x49: {  	_ =	shalt  }
0x4a: {  	_ =	shalt  }
0x4b: {  	_ =	shalt  }
0x4c: {  	_ =	shalt  }
0x4d: {  	_ =	shalt  }
0x4e: {  	_ =	shalt  }
0x4f: {  	_ =	shalt  }
0x50: {  	_ =	shalt  }
0x51: {  	_ =	shalt  }
0x52: {  	_ =	shalt  }
0x53: {  	_ =	shalt  }
0x54: {  	_ =	shalt  }
0x55: {  	_ =	shalt  }
0x56: {  	_ =	shalt  }
0x57: {  	_ =	shalt  }
0x58: {  	_ =	shalt  }
0x59: {  	_ =	shalt  }
0x5a: {  	_ =	shalt  }
0x5b: {  	_ =	shalt  }
0x5c: {  	_ =	shalt  }
0x5d: {  	_ =	shalt  }
0x5e: {  	_ =	shalt  }
0x5f: {  	_ =	shalt  }
0x60: {  	_ =	shalt  }
0x61: {  	_ =	shalt  }
0x62: {  	_ =	shalt  }
0x63: {  	_ =	shalt  }
0x64: {  	_ =	shalt  }
0x65: {  	_ =	shalt  }
0x66: {  	_ =	shalt  }
0x67: {  	_ =	shalt  }
0x68: {  	_ =	shalt  }
0x69: {  	_ =	shalt  }
0x6a: {  	_ =	shalt  }
0x6b: {  	_ =	shalt  }
0x6c: {  	_ =	shalt  }
0x6d: {  	_ =	shalt  }
0x6e: {  	_ =	shalt  }
0x6f: {  	_ =	shalt  }
0x70: {  	_ =	shalt  }
0x71: {  	_ =	shalt  }
0x72: {  	_ =	shalt  }
0x73: {  	_ =	shalt  }
0x74: {  	_ =	shalt  }
0x75: {  	_ =	shalt  }
0x76: {  	_ =	shalt  }
0x77: {  	_ =	shalt  }
0x78: {  	_ =	shalt  }
0x79: {  	_ =	shalt  }
0x7a: {  	_ =	shalt  }
0x7b: {  	_ =	shalt  }
0x7c: {  	_ =	shalt  }
0x7d: {  	_ =	shalt  }
0x7e: {  	_ =	shalt  }
0x7f: {  	_ =	shalt  }
0x80: {  	_ =	shalt  }
0x81: {  	_ =	shalt  }
0x82: {  	_ =	shalt  }
0x83: {  	_ =	shalt  }
0x84: {  	_ =	shalt  }
0x85: {  	_ =	shalt  }
0x86: {  	_ =	shalt  }
0x87: {  	_ =	shalt  }
.Lfunc_end0:
.L_simem_size_0:
called_computation.1_lowered:
.L_overlay_start_0:
0x88: {  	s2 =	sld [smem:$0x3FD9]  }
0x89: {  	s3 =	sld [smem:$0x3FFE];
	_ =	sdelay $0x1  }
0x8a: {  	s1 =	srdreg.scid  }
0x8b: {  	s0 =	sand.u32 $0x1, s1  }
0x8c: {  	s17 =	sshll.u32 s0, $0xA;
	s2 =	sadd.s32 s3, s2  }
0x8d: {  	s2 =	sadd.s32 s2, s17  }
0x8e: {  	[smem:$0x3FC0] =	sst s2  }
0x8f: {  	_ = 	snop  }
0x90: {  	s2 =	sld [smem:$0x3FD0];
	(tm) =	ssettm $0x1  }
0x91: {  	s18 =	sld [smem:$0x3FFB];
	_ =	sdelay $0x3  }
0x92: {  	_ =	strace s18  }
0x93: {  	s3 =	sld [smem:$0x3FFC];
	_ =	sdelay $0x3  }
0x94: {  	_ =	strace s3  }
0x95: {  	s3 =	sld [smem:$0x3FFD];
	_ =	sdelay $0x3  }
0x96: {  	_ =	strace s3  }
0x97: {  	_ =	strace $0x8FFFFFFF  }
0x98: {  	s19 =	sld [smem:$0x3FDB];
	_ =	sdelay $0x1  }
0x99: {  	s4 =	simm.s32 $_scs_section_size  }
0x9a: {  	s5 =	simm.s32 $_size__tile_overlayer_lowered;
	s6 =	simm.s32 $_tile_overlayer_lowered  }
0x9b: {  	s22 =	simm.s32 $0x1BFF;
	s21 =	sshll.u32 s6, $0x1;
	s3 =	sadd.s32 s4, s19  }
0x9c: {  	s7 =	simm.s32 $0x0;
	s20 =	sshll.u32 s5, $0x1;
	s5 =	sadd.s32 s21, s3  }
0x9d: {  	[timem:s7], [sflag:s22] =	dma.local [hbm:s5], s20  }
0x9e: {  	_ =	swait.ge [sflag:s22], s20  }
0x9f: {  	s4 =	ssub.s32 $0x0, s20;
	[sflag:s22] =	ssyncset.done $0x0  }
0xa0: {  	[sflag:s22] =	ssyncadd.s32 s4;
	_ =	sdelay $0x1  }
0xa1: {  	s23 =	simm.s32 $0x1B8B  }
0xa2: {  	_ =	swait.ge [sflag:s23], $0x1  }
0xa3: {  	[sflag:s23] =	ssyncset.done $0x0  }
0xa4: {  	s25 =	simm.s32 $0x1B8E;
	s24 =	sld [smem:$0x3FFE];
	[sflag:s23] =	ssyncadd.s32 $0xFFFFFFFF  }
0xa5: {  	s26 =	simm.s32 $execute0_lowered;
	[smem:$0x3FD2] =	sst s25  }
0xa6: {  	s5 =	sshll.u32 s26, $0x1;
	_ =	strace $0x80000049;
	[dreg:$0x1] =	wrdreg $0xFFFFFFFF  }
0xa7: {  	s28 =	simm.s32 $_size_execute0_lowered;
	s3 =	sadd.s32 s3, s5;
	[dreg:$0x0] =	wrdreg $0x0  }
0xa8: {  	s5 =	sshll.u32 s28, $0x1;
	[dreg:$0x2] =	wrdreg s3  }
0xa9: {  	[dreg:$0x3] =	wrdreg s5  }
0xaa: {  	[dreg:$0x4] =	wrdreg $0xC0  }
0xab: {  	_ =	task [dreg:s7], $0x5FFFF  }
0xac: {  	[dreg:$0x1] =	wrdreg $0xFFFFFFFF  }
0xad: {  	[dreg:$0x0] =	wrdreg $0x60  }
0xae: {  	[dreg:$0x2] =	wrdreg s2  }
0xaf: {  	[dreg:$0x3] =	wrdreg s24  }
0xb0: {  	[dreg:$0x4] =	wrdreg $0x90000  }
0xb1: {  	[dreg:$0x5] =	wrdreg $0x130000  }
0xb2: {  	[dreg:$0x6] =	wrdreg $0x9  }
0xb3: {  	_ =	task.clear_ibuf [dreg:s7], $0x7FFFF;
	_ =	strace $0x90000049  }
0xb4: {  	s29 =	simm.s32 $0x9;
	_ =	strace $0x8000004B  }
0xb5: {  	_ =	swait.ge [sflag:s29], $0x1  }
0xb6: {  	[sflag:s29] =	ssyncadd.s32 $0xFFFFFFFF  }
0xb7: {  	_ =	strace $0x9000004B  }
0xb8: {  	_ =	sfence  }
0xb9: {  	s30 =	sld [smem:$0x0];
	_ =	sdelay $0x2  }
0xba: {  	s31 =	sshll.u32 s1, $0xD;
	s1 =	sshrl.u32 s1, $0x2  }
0xbb: {  	s3 =	sand.u32 $0x4000, s31;
	s1 =	sadd.s32 s1, s30  }
0xbc: {  	s0 =	sor.u32 s3, s0;
	s1 =	sshll.u32 s1, $0x11  }
0xbd: {  	s0 =	sor.u32 s1, s0  }
0xbe: {  	s0 =	sadd.s32 $0x8F2B, s0  }
0xbf: {  	[sflag:s0] =	ssyncadd.remote.s32 $0x1  }
0xc0: {  	_ =	sfence.sel $0xFFFF  }
0xc1: {  	[dreg:$0x0] =	wrdreg $0xFFFFFFFF;
	(pc) =	sbr.abs _section_cstart, $3  }
0xc2: {  	[dreg:$0x1] =	wrdreg $0xFFFFFFFF  }
0xc3: {  	_ =	task.clear_ibuf [dreg:s7], $0x2FFFF;
	_ =	strace $0x9FFFFFFF  }
0xc4: {  	(tm) =	ssettm $0x7FFFFFFF  }
0xc5: {  	_ =	shalt  }
tec
execute0_lowered:
.L_overlay_start_1:
0x0: {  	(tag) =	ssettag $0x1  }
0x1: {  	s1 =	rddreg [dreg:$0x0]  }
0x2: {  	s0 =	srdreg.scid;
	s6 =	rddreg [dreg:$0x1]  }
0x3: {  	s24 =	stileid.u32;
	s2 =	rddreg [dreg:$0x2]  }
0x4: {  	s16 =	simm.s32 $0x2800;
	s17 =	simm.s32 $0x5000;
	s20 =	simm.s32 $0x80  }
0x5: {  	s21 =	simm.s32 $0x7000;
	s22 =	simm.s32 $0x1;
	s23 =	simm.s32 $0x2  }
0x6: {  	s28 =	simm.s32 $0x4F80;
	s29 =	simm.s32 $0x0;
	s12 =	smul.u32 $0xA000, s24  }
0x7: {  	s5 =	sand.u32 $0x1, s0;
	s11 =	smul.u32 $0x28000, s24;
	s18 =	sshll.u32 s24, $0x6  }
0x8: {  	s3 =	sshll.u32 s5, $0x4;
	s8 =	smul.u32 $0xA0000, s5;
	s5 =	ssub.s32 $0x2, s5  }
0x9: {  	s18 =	sor.u32 $0x1C05, s18;
	s4 =	sor.u32 s24, s3;
	s3 =	rddreg [dreg:$0x3]  }
0xa: {  	s10 =	sshrl.u32 s12, $0x3;
	s25 =	sshrl.u32 s5, $0x1;
	s26 =	sshrl.u32 s11, $0x2  }
0xb: {  	s24 =	simm.s32 $0x3;
	s7 =	smul.u32 $0x500, s4;
	s4 =	simm.s32 $0x0  }
0xc: {  	s8 =	sadd.s32 s12, s8;
	s13 =	sadd.s32 s10, s6;
	s15 =	ssub.s32 s5, s25  }
0xd: {  	s30 =	sadd.s32 s26, s2;
	s31 =	sadd.s32 s12, s3;
	s25 =	simm.s32 $0x4  }
0xe: {  	s26 =	simm.s32 $0x4F00;
	[smem:$0x7FF] =	sst s4;
	s8 =	sshrl.u32 s8, $0x3  }
0xf: {  	s10 =	sadd.s32 $0x6000, s30;
	s11 =	sadd.s32 $0x8000, s30;
	s19 =	sshrl.u32 s31, $0x3  }
0x10: {  	_ =	strace $0x8000004A;
	s9 =	sadd.s32 s7, s6;
	s14 =	sadd.s32 s8, s6  }
0x11: {  	s5 =	sadd.s32 s1, s7;
	s7 =	sadd.s32 s12, s2;
	s8 =	sadd.s32 $0x2000, s30  }
0x12: {  	s12 =	sadd.s32 $0xC800, s13;
	s6 =	sadd.s32 $0x2800, s9;
	s9 =	sadd.s32 $0x4000, s30  }
0x13: {  	v0 =	vimm.f32 $0.0e+00;
	s13 =	sadd.s32 $0x20800, s14;
	s14 =	smax.u32 s15, $0x1;
	s15 =	simm.s32 $0x5  }
.LBB2_1:
0x14: {  	[tilespmem:s4], [sflag:$0x5] =	stream.linear.gather [hbm4b:s5+s4], $0x2800, $0x38;
	[tilespmem:$0x1D000] =	vst v63  }
0x15: {  	_ =	swait.ge [sflag:s15], $0x2800  }
0x16: {  	[sflag:s15] =	ssyncset.done $0x0  }
0x17: {  	[sflag:s15] =	ssyncadd.s32 $0xFFFFD800  }
0x18: {  	[tilespmem:s16], [sflag:$0x5] =	stream.linear.gather [hbm4b:s6+s4], $0x2800, $0x38;
	[tilespmem:$0x1D000] =	vst v63  }
0x19: {  	s1 =	sand.u32 $0x7F00, s4;
	s31 =	sand.u32 $0x30, s4;
	_ =	swait.ge [sflag:s15], $0x2800  }
0x1a: {  	s30 =	simm.s32 $0x40;
	s1 =	sshrl.u32 s1, $0x2;
	[sflag:s15] =	ssyncset.done $0x0  }
0x1b: {  	s1 =	sor.u32 s31, s1;
	s31 =	simm.s32 $0x0;
	[sflag:s15] =	ssyncadd.s32 $0xFFFFD800  }
.LBB2_2:
0x1c: {  	p0 =	sne.s32 s30, $0x7FC0  }
0x1d: {  	[tilespmem:s1+$0x5000] =	vst v0;
	s31 =	sadd.s32 $0x10, s31;
	s1 =	smov.u32 s30;
	s30 =	sadd.s32 $0x40, s30  }
.Ltmp0:
0x1e: {  	(pc) =	sbr.rel @p0 .LBB2_2-.Ltmp0, $4  }
0x1f: {  	_ = 	snop  }
0x20: {  	s1 =	sand.u32 $0x7F00, s1  }
0x21: {  	s0 =	sand.u32 $0x30, s31;
	s1 =	sshrl.u32 s1, $0x2  }
0x22: {  	s1 =	sor.u32 s0, s1  }
0x23: {  	[tilespmem:s1+$0x5000] =	vst v0  }
0x24: {  	[spmem:s7] =	stream.linear.scatter [tilespmem:s17], [sflag:$0x5], $0x2000, $0x38;
	[tilespmem:$0x1D000] =	vst v63  }
0x25: {  	_ =	swait.ge [sflag:s15], $0x2000  }
0x26: {  	[sflag:s15] =	ssyncset.done $0x0  }
0x27: {  	[sflag:s15] =	ssyncadd.s32 $0xFFFFE000  }
0x28: {  	[spmem:s8] =	stream.linear.scatter [tilespmem:s17], [sflag:$0x5], $0x2000, $0x38;
	[tilespmem:$0x1D000] =	vst v63  }
0x29: {  	_ =	swait.ge [sflag:s15], $0x2000  }
0x2a: {  	[sflag:s15] =	ssyncset.done $0x0  }
0x2b: {  	[sflag:s15] =	ssyncadd.s32 $0xFFFFE000  }
0x2c: {  	[spmem:s9] =	stream.linear.scatter [tilespmem:s17], [sflag:$0x5], $0x2000, $0x38;
	[tilespmem:$0x1D000] =	vst v63  }
0x2d: {  	_ =	swait.ge [sflag:s15], $0x2000  }
0x2e: {  	[sflag:s15] =	ssyncset.done $0x0  }
0x2f: {  	[sflag:s15] =	ssyncadd.s32 $0xFFFFE000  }
0x30: {  	[spmem:s10] =	stream.linear.scatter [tilespmem:s17], [sflag:$0x5], $0x2000, $0x38;
	[tilespmem:$0x1D000] =	vst v63  }
0x31: {  	_ =	swait.ge [sflag:s15], $0x2000  }
0x32: {  	[sflag:s15] =	ssyncset.done $0x0  }
0x33: {  	[sflag:s15] =	ssyncadd.s32 $0xFFFFE000  }
0x34: {  	[spmem:s11] =	stream.linear.scatter [tilespmem:s17], [sflag:$0x5], $0x2000, $0x38;
	[tilespmem:$0x1D000] =	vst v63  }
0x35: {  	_ =	swait.ge [sflag:s15], $0x2000  }
0x36: {  	[sflag:s15] =	ssyncset.done $0x0  }
0x37: {  	[sflag:s15] =	ssyncadd.s32 $0xFFFFE000  }
0x38: {  	[spmem:s19], [sflag:s18] =	dma.local [hbm:s12], $0x1400  }
0x39: {  	_ =	swait.ge [sflag:s15], $0x1400  }
0x3a: {  	[sflag:s15] =	ssyncset.done $0x0  }
0x3b: {  	[sflag:s15] =	ssyncadd.s32 $0xFFFFEC00  }
0x3c: {  	s0 =	simm.s32 $0x0;
	[bflag:$0x0] =	sbarrier.arrive $0xFFFF  }
0x3d: {  	[tilespmem:s17], [sflag:$0x1] =	stream.indirect.gather [spmem:s3], $0x40, s0, s20, $0xb8;
	[tilespmem:$0x1D000] =	vst v63  }
0x3e: {  	_ = 	snop  }
0x3f: {  	[tilespmem:s21], [sflag:$0x2] =	stream.indirect.gather [spmem:s3], $0x40, s20, s20, $0xb8;
	[tilespmem:$0x1D000] =	vst v63  }
0x40: {  	_ =	swait.ge [sflag:s22], $0x2000  }
0x41: {  	[sflag:s22] =	ssyncset.done $0x0  }
0x42: {  	s31 =	simm.s32 $0x2800;
	[sflag:s22] =	ssyncadd.s32 $0xFFFFE000  }
0x43: {  	[spmem:s2] =	stream.indirect.scatter.add.f32 [tilespmem:s17], [sflag:$0x3], $0x40, s31, s20, $0xb8;
	[tilespmem:$0x1D000] =	vst v63  }
0x44: {  	_ =	swait.ge [sflag:s23], $0x2000  }
0x45: {  	[sflag:s23] =	ssyncset.done $0x0  }
0x46: {  	s1 =	simm.s32 $0x2880;
	[sflag:s23] =	ssyncadd.s32 $0xFFFFE000  }
0x47: {  	[spmem:s2] =	stream.indirect.scatter.add.f32 [tilespmem:s21], [sflag:$0x4], $0x40, s1, s20, $0xb8;
	[tilespmem:$0x1D000] =	vst v63  }
0x48: {  	_ =	swait.ge [sflag:s24], $0x2000  }
0x49: {  	[sflag:s24] =	ssyncset.done $0x0  }
0x4a: {  	s31 =	simm.s32 $0x100;
	[sflag:s24] =	ssyncadd.s32 $0xFFFFE000  }
0x4b: {  	[tilespmem:s17], [sflag:$0x1] =	stream.indirect.gather [spmem:s3], $0x40, s31, s20, $0xb8;
	[tilespmem:$0x1D000] =	vst v63  }
0x4c: {  	_ =	swait.ge [sflag:s25], $0x2000  }
0x4d: {  	[sflag:s25] =	ssyncset.done $0x0  }
0x4e: {  	s30 =	simm.s32 $0x400;
	s1 =	simm.s32 $0x180;
	[sflag:s25] =	ssyncadd.s32 $0xFFFFE000  }
.LBB2_4:
0x4f: {  	[tilespmem:s21], [sflag:$0x2] =	stream.indirect.gather [spmem:s3], $0x40, s1, s20, $0xb8;
	[tilespmem:$0x1D000] =	vst v63  }
0x50: {  	s0 =	smov.u32 s30  }
0x51: {  	p0 =	sne.s32 s30, $0x9800;
	s30 =	sadd.s32 $0x400, s30;
	_ =	swait.ge [sflag:s22], $0x2000  }
0x52: {  	s0 =	sshra.s32 s0, $0x2;
	[sflag:s22] =	ssyncset.done $0x0  }
0x53: {  	s1 =	sadd.s32 $0x2800, s0;
	[sflag:s22] =	ssyncadd.s32 $0xFFFFE000  }
0x54: {  	[spmem:s2] =	stream.indirect.scatter.add.f32 [tilespmem:s17], [sflag:$0x3], $0x40, s1, s20, $0xb8;
	[tilespmem:$0x1D000] =	vst v63  }
0x55: {  	_ =	swait.ge [sflag:s23], $0x2000  }
0x56: {  	[sflag:s23] =	ssyncset.done $0x0  }
0x57: {  	s1 =	sadd.s32 $0x2880, s0;
	[sflag:s23] =	ssyncadd.s32 $0xFFFFE000  }
0x58: {  	[spmem:s2] =	stream.indirect.scatter.add.f32 [tilespmem:s21], [sflag:$0x4], $0x40, s1, s20, $0xb8;
	[tilespmem:$0x1D000] =	vst v63  }
0x59: {  	_ =	swait.ge [sflag:s24], $0x2000  }
0x5a: {  	[sflag:s24] =	ssyncset.done $0x0  }
.Ltmp1:
0x5b: {  	s1 =	sadd.s32 $0x100, s0;
	[sflag:s24] =	ssyncadd.s32 $0xFFFFE000;
	(pc) =	sbr.rel @p0 .LBB2_4-.Ltmp1, $4  }
0x5c: {  	[tilespmem:s17], [sflag:$0x1] =	stream.indirect.gather [spmem:s3], $0x40, s1, s20, $0xb8;
	[tilespmem:$0x1D000] =	vst v63  }
0x5d: {  	_ =	swait.ge [sflag:s25], $0x2000  }
0x5e: {  	[sflag:s25] =	ssyncset.done $0x0  }
0x5f: {  	s1 =	sadd.s32 $0x180, s0;
	[sflag:s25] =	ssyncadd.s32 $0xFFFFE000  }
0x60: {  	[tilespmem:s21], [sflag:$0x2] =	stream.indirect.gather [spmem:s3], $0x40, s1, s20, $0xb8;
	[tilespmem:$0x1D000] =	vst v63  }
0x61: {  	_ =	swait.ge [sflag:s22], $0x2000  }
0x62: {  	[sflag:s22] =	ssyncset.done $0x0  }
0x63: {  	[sflag:s22] =	ssyncadd.s32 $0xFFFFE000  }
0x64: {  	[spmem:s2] =	stream.indirect.scatter.add.f32 [tilespmem:s17], [sflag:$0x3], $0x40, s26, s20, $0xb8;
	[tilespmem:$0x1D000] =	vst v63  }
0x65: {  	_ =	swait.ge [sflag:s23], $0x2000  }
0x66: {  	[sflag:s23] =	ssyncset.done $0x0  }
0x67: {  	[sflag:s23] =	ssyncadd.s32 $0xFFFFE000  }
0x68: {  	[spmem:s2] =	stream.indirect.scatter.add.f32 [tilespmem:s21], [sflag:$0x4], $0x40, s28, s20, $0xb8;
	[tilespmem:$0x1D000] =	vst v63  }
0x69: {  	_ =	swait.ge [sflag:s24], $0x2000  }
0x6a: {  	[sflag:s24] =	ssyncset.done $0x0  }
0x6b: {  	[sflag:s24] =	ssyncadd.s32 $0xFFFFE000  }
0x6c: {  	_ =	swait.ge [sflag:s25], $0x2000  }
0x6d: {  	s29 =	sadd.s32 $0x1, s29;
	[sflag:s25] =	ssyncset.done $0x0  }
0x6e: {  	p0 =	sne.s32 s29, s14;
	[sflag:s25] =	ssyncadd.s32 $0xFFFFE000  }
.Ltmp2:
0x6f: {  	s0 =	sshrl.u32 s7, $0x3;
	[bflag:$0x0] =	sbarrier.arrive $0xFFFF;
	(pc) =	sbr.rel @p0 .LBB2_1-.Ltmp2, $4  }
0x70: {  	[hbm:s13], [sflag:s18] =	dma.local [spmem:s0], $0x1400  }
0x71: {  	_ =	swait.ge [sflag:s15], $0x1400  }
0x72: {  	[sflag:s15] =	ssyncset.done $0x0  }
0x73: {  	[sflag:s15] =	ssyncadd.s32 $0xFFFFEC00  }
0x74: {  	_ =	sfence.sel $0x180000  }
0x75: {  	[bflag:$0x0] =	sbarrier.arrive $0xFFFF  }
0x76: {  	_ =	strace $0x9000004A  }
0x77: {  	s0 =	stileid.u32;
	[bflag:$0x2] =	sbarrier.arrive $0xFFFF  }
0x78: {  	p0 =	sne.s32 s0, $0x0;
	s0 =	rddreg [dreg:$0x4]  }
0x79: {  	s0 =	sadd.s32 @!p0 $0x100000, s0  }
0x7a: {  	[sflag:s0] =	ssyncadd.tile.s32 @!p0 $0x1;
	_ =	shalt  }
.Lfunc_end2:
_tile_overlayer_lowered:
.L_overlay_start_2:
0x7b: {  	(tag) =	ssettag $0x2  }
0x7c: {  	s0 =	rddreg [dreg:$0x0];
	s2 =	stileid.u32  }
0x7d: {  	s1 =	rddreg [dreg:$0x1];
	p0 =	sne.s32 s2, $0x0  }
0x7e: {  	s3 =	rddreg [dreg:$0x2];
	[bflag:$0x3] =	sbarrier.arrive $0xFFFF;
	s2 =	simm.s32 @!p0 $0x1C05  }
0x7f: {  	[timem:s3], [sflag:s2] =	dma.local @!p0 [hbm:s0], s1  }
0x80: {  	s0 =	simm.s32 @!p0 $0x5  }
0x81: {  	_ =	swait.ge @!p0 [sflag:s0], s1  }
0x82: {  	s1 =	ssub.s32 @!p0 $0x0, s1;
	[sflag:s0] =	ssyncset.done @!p0 $0x0  }
0x83: {  	[sflag:s0] =	ssyncadd.s32 @!p0 s1  }
0x84: {  	[bflag:$0x3] =	sbarrier.arrive $0xFFFF  }
0x85: {  	_ =	shalt  }

// kernel: kernel.14.cloned.1.call-start
scs
__scs_entry_jumppad:
0x0: {  	(pc) =	sbr.rel $0x88, $3  }
0x1: {  	(tag) =	ssettag $0x0;
	lr =	simm.s32 $0x1  }
0x2: {  	[smem:$0x3F99] =	sst lr;
	_ =	strace $0xD0000000  }
0x3: {  	_ = 	snop  }
0x4: {  	_ = 	snop  }
0x5: {  	_ = 	snop  }
0x6: {  	_ = 	snop  }
0x7: {  	_ = 	snop  }
__scs_overlays_trampoline_lowered:
0x8: {  	[smem:$0x3FA8] =	sst s0  }
0x9: {  	[smem:$0x3FA9] =	sst s1  }
0xa: {  	[smem:$0x3FAA] =	sst s2  }
0xb: {  	[smem:$0x3FAB] =	sst s3  }
0xc: {  	[smem:$0x3FAC] =	sst s4  }
0xd: {  	[smem:$0x3FAD] =	sst s5  }
0xe: {  	[smem:$0x3FAE] =	sst s6  }
0xf: {  	[smem:$0x3FAF] =	sst s7  }
0x10: {  	[smem:$0x3FB0] =	sst s8  }
0x11: {  	[smem:$0x3FB1] =	sst s9;
	s0 =	simm.s32 @!p0 $0x0  }
0x12: {  	s1 =	sld [smem:$0x3F97];
	s0 =	simm.s32 @p0 $0x1  }
0x13: {  	[smem:$0x3FB2] =	sst s0;
	s0 =	simm.s32 @!p1 $0x0  }
0x14: {  	s2 =	sld [smem:$0x3F96];
	s0 =	simm.s32 @p1 $0x1  }
0x15: {  	[smem:$0x3FB3] =	sst s0;
	s0 =	simm.s32 @!p2 $0x0  }
0x16: {  	s3 =	sld [smem:$0x3FDB];
	s0 =	simm.s32 @p2 $0x1  }
0x17: {  	s4 =	simm.s32 $0x1BF5;
	[smem:$0x3FB5] =	sst s0  }
0x18: {  	s0 =	sld [smem:$0x3F98];
	_ =	swait.ge [sflag:s4], $0x0  }
0x19: {  	s7 =	sld [smem:$0x3F99]  }
0x1a: {  	s8 =	sadd.s32 $0xFFFFE003, lr  }
0x1b: {  	s9 =	sadd.s32 $0xFFFFFEF7, lr;
	s5 =	simm.s32 $0xFFFFFFFF;
	p2 =	slt.u32 s8, $0xFFFFF086  }
0x1c: {  	p1 =	slt.u32 s9, $0xF7A;
	s5 =	simm.s32 @!p2 $0x0  }
0x1d: {  	s5 =	simm.s32 @p1 $0x1;
	p0 =	seq.s32 s7, s2  }
0x1e: {  	s7 =	smul.u32 @!p0 $0xF7A, s2;
	p2 =	seq.s32 @!p0 s5, $0x0  }
0x1f: {  	s9 =	smul.u32 $0xF7A, s1;
	s8 =	simm.s32 @!p0 $0x1BF5;
	p2 =	por !p2, p0  }
0x20: {  	[sflag:s8] =	ssyncset.s32 @!p0 $0xFFFFF086;
	s6 =	sadd.s32 @!p0 s3, s7;
	s7 =	simm.s32 @!p0 $0x108  }
0x21: {  	s3 =	sadd.s32 s3, s9;
	s6 =	sadd.s32 @!p0 $0x88, s6;
	s7 =	simm.s32 @p2 $0x1082  }
0x22: {  	[simem:s7], [sflag:s8] =	dma.local @!p0 [hbm:s6], $0xF7A  }
0x23: {  	s9 =	sor.u32 $0xD0000000, s2;
	s6 =	simm.s32 $0x108;
	_ =	swait.ge @!p0 [sflag:s8], $0x0  }
0x24: {  	s3 =	sadd.s32 $0x88, s3;
	s6 =	simm.s32 @!p1 $0x1082;
	[sflag:s4] =	ssyncset.s32 $0xFFFFF086  }
0x25: {  	[simem:s6], [sflag:s4] =	dma.local [hbm:s3], $0xF7A  }
0x26: {  	[smem:$0x3F99] =	sst s1;
	(tag) =	ssettag s2;
	_ =	strace s9  }
0x27: {  	s1 =	sld [smem:$0x3FA9]  }
0x28: {  	s2 =	sld [smem:$0x3FAA]  }
0x29: {  	s4 =	sld [smem:$0x3FAC]  }
0x2a: {  	p0 =	seq.s32 s5, $0x0;
	s5 =	sld [smem:$0x3FAD]  }
0x2b: {  	s6 =	sld [smem:$0x3FAE]  }
0x2c: {  	s7 =	sld [smem:$0x3FAF]  }
0x2d: {  	s3 =	simm.s32 $0x108;
	s8 =	sld [smem:$0x3FB0]  }
0x2e: {  	s3 =	simm.s32 @!p0 $0x1082;
	s9 =	sld [smem:$0x3FB1]  }
0x2f: {  	lr =	sadd.s32 s0, s3;
	s0 =	sld [smem:$0x3FA8]  }
0x30: {  	s3 =	sld [smem:$0x3FAB]  }
0x31: {  	[smem:$0x3FB4] =	sst s10  }
0x32: {  	s10 =	sld [smem:$0x3FB2];
	_ =	sdelay $0x3  }
0x33: {  	p0 =	seq.s32 s10, $0x1;
	s10 =	sld [smem:$0x3FB4];
	_ =	sdelay $0x3  }
0x34: {  	[smem:$0x3FB4] =	sst s10  }
0x35: {  	s10 =	sld [smem:$0x3FB3];
	_ =	sdelay $0x3  }
0x36: {  	p1 =	seq.s32 s10, $0x1;
	s10 =	sld [smem:$0x3FB4];
	_ =	sdelay $0x3  }
0x37: {  	[smem:$0x3FB4] =	sst s10  }
0x38: {  	s10 =	sld [smem:$0x3FB5]  }
0x39: {  	_ = 	snop;
	(pc) =	sbr.ind lr, $3  }
0x3a: {  	_ = 	snop  }
0x3b: {  	_ = 	snop  }
0x3c: {  	p2 =	seq.s32 s10, $0x1;
	s10 =	sld [smem:$0x3FB4]  }
0x3d: {  	_ =	shalt  }
0x3e: {  	_ =	shalt  }
0x3f: {  	_ =	shalt  }
0x40: {  	_ =	shalt  }
0x41: {  	_ =	shalt  }
0x42: {  	_ =	shalt  }
0x43: {  	_ =	shalt  }
0x44: {  	_ =	shalt  }
0x45: {  	_ =	shalt  }
0x46: {  	_ =	shalt  }
0x47: {  	_ =	shalt  }
0x48: {  	_ =	shalt  }
0x49: {  	_ =	shalt  }
0x4a: {  	_ =	shalt  }
0x4b: {  	_ =	shalt  }
0x4c: {  	_ =	shalt  }
0x4d: {  	_ =	shalt  }
0x4e: {  	_ =	shalt  }
0x4f: {  	_ =	shalt  }
0x50: {  	_ =	shalt  }
0x51: {  	_ =	shalt  }
0x52: {  	_ =	shalt  }
0x53: {  	_ =	shalt  }
0x54: {  	_ =	shalt  }
0x55: {  	_ =	shalt  }
0x56: {  	_ =	shalt  }
0x57: {  	_ =	shalt  }
0x58: {  	_ =	shalt  }
0x59: {  	_ =	shalt  }
0x5a: {  	_ =	shalt  }
0x5b: {  	_ =	shalt  }
0x5c: {  	_ =	shalt  }
0x5d: {  	_ =	shalt  }
0x5e: {  	_ =	shalt  }
0x5f: {  	_ =	shalt  }
0x60: {  	_ =	shalt  }
0x61: {  	_ =	shalt  }
0x62: {  	_ =	shalt  }
0x63: {  	_ =	shalt  }
0x64: {  	_ =	shalt  }
0x65: {  	_ =	shalt  }
0x66: {  	_ =	shalt  }
0x67: {  	_ =	shalt  }
0x68: {  	_ =	shalt  }
0x69: {  	_ =	shalt  }
0x6a: {  	_ =	shalt  }
0x6b: {  	_ =	shalt  }
0x6c: {  	_ =	shalt  }
0x6d: {  	_ =	shalt  }
0x6e: {  	_ =	shalt  }
0x6f: {  	_ =	shalt  }
0x70: {  	_ =	shalt  }
0x71: {  	_ =	shalt  }
0x72: {  	_ =	shalt  }
0x73: {  	_ =	shalt  }
0x74: {  	_ =	shalt  }
0x75: {  	_ =	shalt  }
0x76: {  	_ =	shalt  }
0x77: {  	_ =	shalt  }
0x78: {  	_ =	shalt  }
0x79: {  	_ =	shalt  }
0x7a: {  	_ =	shalt  }
0x7b: {  	_ =	shalt  }
0x7c: {  	_ =	shalt  }
0x7d: {  	_ =	shalt  }
0x7e: {  	_ =	shalt  }
0x7f: {  	_ =	shalt  }
0x80: {  	_ =	shalt  }
0x81: {  	_ =	shalt  }
0x82: {  	_ =	shalt  }
0x83: {  	_ =	shalt  }
0x84: {  	_ =	shalt  }
0x85: {  	_ =	shalt  }
0x86: {  	_ =	shalt  }
0x87: {  	_ =	shalt  }
.Lfunc_end0:
.L_simem_size_0:
called_computation.2_lowered:
.L_overlay_start_0:
0x88: {  	s2 =	sld [smem:$0x3FD9]  }
0x89: {  	s3 =	sld [smem:$0x3FFE];
	_ =	sdelay $0x1  }
0x8a: {  	s1 =	srdreg.scid  }
0x8b: {  	s0 =	sand.u32 $0x1, s1  }
0x8c: {  	s17 =	sshll.u32 s0, $0xA;
	s2 =	sadd.s32 s3, s2  }
0x8d: {  	s2 =	sadd.s32 s2, s17  }
0x8e: {  	[smem:$0x3FC0] =	sst s2  }
0x8f: {  	_ = 	snop  }
0x90: {  	s2 =	sld [smem:$0x3FD0];
	(tm) =	ssettm $0x1  }
0x91: {  	s18 =	sld [smem:$0x3FFB];
	_ =	sdelay $0x3  }
0x92: {  	_ =	strace s18  }
0x93: {  	s3 =	sld [smem:$0x3FFC];
	_ =	sdelay $0x3  }
0x94: {  	_ =	strace s3  }
0x95: {  	s3 =	sld [smem:$0x3FFD];
	_ =	sdelay $0x3  }
0x96: {  	_ =	strace s3  }
0x97: {  	_ =	strace $0x8FFFFFFF  }
0x98: {  	s19 =	sld [smem:$0x3FDB];
	_ =	sdelay $0x1  }
0x99: {  	s4 =	simm.s32 $_scs_section_size  }
0x9a: {  	s5 =	simm.s32 $_size__tile_overlayer_lowered;
	s6 =	simm.s32 $_tile_overlayer_lowered  }
0x9b: {  	s22 =	simm.s32 $0x1BFF;
	s21 =	sshll.u32 s6, $0x1;
	s3 =	sadd.s32 s4, s19  }
0x9c: {  	s7 =	simm.s32 $0x0;
	s20 =	sshll.u32 s5, $0x1;
	s5 =	sadd.s32 s21, s3  }
0x9d: {  	[timem:s7], [sflag:s22] =	dma.local [hbm:s5], s20  }
0x9e: {  	_ =	swait.ge [sflag:s22], s20  }
0x9f: {  	s4 =	ssub.s32 $0x0, s20;
	[sflag:s22] =	ssyncset.done $0x0  }
0xa0: {  	[sflag:s22] =	ssyncadd.s32 s4;
	_ =	sdelay $0x1  }
0xa1: {  	s23 =	simm.s32 $0x1B8B  }
0xa2: {  	_ =	swait.ge [sflag:s23], $0x1  }
0xa3: {  	[sflag:s23] =	ssyncset.done $0x0  }
0xa4: {  	s25 =	simm.s32 $0x1B8E;
	s24 =	sld [smem:$0x3FFE];
	[sflag:s23] =	ssyncadd.s32 $0xFFFFFFFF  }
0xa5: {  	s26 =	simm.s32 $execute0_lowered;
	[smem:$0x3FD2] =	sst s25  }
0xa6: {  	s5 =	sshll.u32 s26, $0x1;
	_ =	strace $0x8000004C;
	[dreg:$0x1] =	wrdreg $0xFFFFFFFF  }
0xa7: {  	s28 =	simm.s32 $_size_execute0_lowered;
	s3 =	sadd.s32 s3, s5;
	[dreg:$0x0] =	wrdreg $0x0  }
0xa8: {  	s5 =	sshll.u32 s28, $0x1;
	[dreg:$0x2] =	wrdreg s3  }
0xa9: {  	[dreg:$0x3] =	wrdreg s5  }
0xaa: {  	[dreg:$0x4] =	wrdreg $0xC0  }
0xab: {  	_ =	task [dreg:s7], $0x5FFFF  }
0xac: {  	[dreg:$0x1] =	wrdreg $0xFFFFFFFF  }
0xad: {  	[dreg:$0x0] =	wrdreg $0x60  }
0xae: {  	[dreg:$0x2] =	wrdreg s2  }
0xaf: {  	[dreg:$0x3] =	wrdreg s24  }
0xb0: {  	[dreg:$0x4] =	wrdreg $0x90000  }
0xb1: {  	[dreg:$0x5] =	wrdreg $0x130000  }
0xb2: {  	[dreg:$0x6] =	wrdreg $0x9  }
0xb3: {  	_ =	task.clear_ibuf [dreg:s7], $0x7FFFF;
	_ =	strace $0x9000004C  }
0xb4: {  	s29 =	simm.s32 $0x9;
	_ =	strace $0x8000004E  }
0xb5: {  	_ =	swait.ge [sflag:s29], $0x1  }
0xb6: {  	[sflag:s29] =	ssyncadd.s32 $0xFFFFFFFF  }
0xb7: {  	_ =	strace $0x9000004E  }
0xb8: {  	_ =	sfence  }
0xb9: {  	s30 =	sld [smem:$0x0];
	_ =	sdelay $0x2  }
0xba: {  	s31 =	sshll.u32 s1, $0xD;
	s1 =	sshrl.u32 s1, $0x2  }
0xbb: {  	s3 =	sand.u32 $0x4000, s31;
	s1 =	sadd.s32 s1, s30  }
0xbc: {  	s0 =	sor.u32 s3, s0;
	s1 =	sshll.u32 s1, $0x11  }
0xbd: {  	s0 =	sor.u32 s1, s0  }
0xbe: {  	s0 =	sadd.s32 $0x8F2B, s0  }
0xbf: {  	[sflag:s0] =	ssyncadd.remote.s32 $0x1  }
0xc0: {  	_ =	sfence.sel $0xFFFF  }
0xc1: {  	[dreg:$0x0] =	wrdreg $0xFFFFFFFF;
	(pc) =	sbr.abs _section_cstart, $3  }
0xc2: {  	[dreg:$0x1] =	wrdreg $0xFFFFFFFF  }
0xc3: {  	_ =	task.clear_ibuf [dreg:s7], $0x2FFFF;
	_ =	strace $0x9FFFFFFF  }
0xc4: {  	(tm) =	ssettm $0x7FFFFFFF  }
0xc5: {  	_ =	shalt  }
tec
execute0_lowered:
.L_overlay_start_1:
0x0: {  	(tag) =	ssettag $0x1  }
0x1: {  	s1 =	rddreg [dreg:$0x0]  }
0x2: {  	s0 =	srdreg.scid;
	s6 =	rddreg [dreg:$0x1]  }
0x3: {  	s24 =	stileid.u32;
	s2 =	rddreg [dreg:$0x2]  }
0x4: {  	s16 =	simm.s32 $0x2800;
	s17 =	simm.s32 $0x5000;
	s20 =	simm.s32 $0x80  }
0x5: {  	s21 =	simm.s32 $0x7000;
	s22 =	simm.s32 $0x1;
	s23 =	simm.s32 $0x2  }
0x6: {  	s28 =	simm.s32 $0x4F80;
	s29 =	simm.s32 $0x0;
	s12 =	smul.u32 $0xA000, s24  }
0x7: {  	s5 =	sand.u32 $0x1, s0;
	s11 =	smul.u32 $0x28000, s24;
	s18 =	sshll.u32 s24, $0x6  }
0x8: {  	s3 =	sshll.u32 s5, $0x4;
	s8 =	smul.u32 $0xA0000, s5;
	s5 =	ssub.s32 $0x2, s5  }
0x9: {  	s18 =	sor.u32 $0x1C05, s18;
	s4 =	sor.u32 s24, s3;
	s3 =	rddreg [dreg:$0x3]  }
0xa: {  	s10 =	sshrl.u32 s12, $0x3;
	s25 =	sshrl.u32 s5, $0x1;
	s26 =	sshrl.u32 s11, $0x2  }
0xb: {  	s24 =	simm.s32 $0x3;
	s7 =	smul.u32 $0x500, s4;
	s4 =	simm.s32 $0x0  }
0xc: {  	s8 =	sadd.s32 s12, s8;
	s13 =	sadd.s32 s10, s6;
	s15 =	ssub.s32 s5, s25  }
0xd: {  	s30 =	sadd.s32 s26, s2;
	s31 =	sadd.s32 s12, s3;
	s25 =	simm.s32 $0x4  }
0xe: {  	s26 =	simm.s32 $0x4F00;
	[smem:$0x7FF] =	sst s4;
	s8 =	sshrl.u32 s8, $0x3  }
0xf: {  	s10 =	sadd.s32 $0x6000, s30;
	s11 =	sadd.s32 $0x8000, s30;
	s19 =	sshrl.u32 s31, $0x3  }
0x10: {  	_ =	strace $0x8000004D;
	s9 =	sadd.s32 s7, s6;
	s14 =	sadd.s32 s8, s6  }
0x11: {  	s5 =	sadd.s32 s1, s7;
	s7 =	sadd.s32 s12, s2;
	s8 =	sadd.s32 $0x2000, s30  }
0x12: {  	s12 =	sadd.s32 $0xC800, s13;
	s6 =	sadd.s32 $0x2800, s9;
	s9 =	sadd.s32 $0x4000, s30  }
0x13: {  	v0 =	vimm.f32 $0.0e+00;
	s13 =	sadd.s32 $0x20800, s14;
	s14 =	smax.u32 s15, $0x1;
	s15 =	simm.s32 $0x5  }
.LBB2_1:
0x14: {  	[tilespmem:s4], [sflag:$0x5] =	stream.linear.gather [hbm4b:s5+s4], $0x2800, $0x38;
	[tilespmem:$0x1D000] =	vst v63  }
0x15: {  	_ =	swait.ge [sflag:s15], $0x2800  }
0x16: {  	[sflag:s15] =	ssyncset.done $0x0  }
0x17: {  	[sflag:s15] =	ssyncadd.s32 $0xFFFFD800  }
0x18: {  	[tilespmem:s16], [sflag:$0x5] =	stream.linear.gather [hbm4b:s6+s4], $0x2800, $0x38;
	[tilespmem:$0x1D000] =	vst v63  }
0x19: {  	s1 =	sand.u32 $0x7F00, s4;
	s31 =	sand.u32 $0x30, s4;
	_ =	swait.ge [sflag:s15], $0x2800  }
0x1a: {  	s30 =	simm.s32 $0x40;
	s1 =	sshrl.u32 s1, $0x2;
	[sflag:s15] =	ssyncset.done $0x0  }
0x1b: {  	s1 =	sor.u32 s31, s1;
	s31 =	simm.s32 $0x0;
	[sflag:s15] =	ssyncadd.s32 $0xFFFFD800  }
.LBB2_2:
0x1c: {  	p0 =	sne.s32 s30, $0x7FC0  }
0x1d: {  	[tilespmem:s1+$0x5000] =	vst v0;
	s31 =	sadd.s32 $0x10, s31;
	s1 =	smov.u32 s30;
	s30 =	sadd.s32 $0x40, s30  }
.Ltmp0:
0x1e: {  	(pc) =	sbr.rel @p0 .LBB2_2-.Ltmp0, $4  }
0x1f: {  	_ = 	snop  }
0x20: {  	s1 =	sand.u32 $0x7F00, s1  }
0x21: {  	s0 =	sand.u32 $0x30, s31;
	s1 =	sshrl.u32 s1, $0x2  }
0x22: {  	s1 =	sor.u32 s0, s1  }
0x23: {  	[tilespmem:s1+$0x5000] =	vst v0  }
0x24: {  	[spmem:s7] =	stream.linear.scatter [tilespmem:s17], [sflag:$0x5], $0x2000, $0x38;
	[tilespmem:$0x1D000] =	vst v63  }
0x25: {  	_ =	swait.ge [sflag:s15], $0x2000  }
0x26: {  	[sflag:s15] =	ssyncset.done $0x0  }
0x27: {  	[sflag:s15] =	ssyncadd.s32 $0xFFFFE000  }
0x28: {  	[spmem:s8] =	stream.linear.scatter [tilespmem:s17], [sflag:$0x5], $0x2000, $0x38;
	[tilespmem:$0x1D000] =	vst v63  }
0x29: {  	_ =	swait.ge [sflag:s15], $0x2000  }
0x2a: {  	[sflag:s15] =	ssyncset.done $0x0  }
0x2b: {  	[sflag:s15] =	ssyncadd.s32 $0xFFFFE000  }
0x2c: {  	[spmem:s9] =	stream.linear.scatter [tilespmem:s17], [sflag:$0x5], $0x2000, $0x38;
	[tilespmem:$0x1D000] =	vst v63  }
0x2d: {  	_ =	swait.ge [sflag:s15], $0x2000  }
0x2e: {  	[sflag:s15] =	ssyncset.done $0x0  }
0x2f: {  	[sflag:s15] =	ssyncadd.s32 $0xFFFFE000  }
0x30: {  	[spmem:s10] =	stream.linear.scatter [tilespmem:s17], [sflag:$0x5], $0x2000, $0x38;
	[tilespmem:$0x1D000] =	vst v63  }
0x31: {  	_ =	swait.ge [sflag:s15], $0x2000  }
0x32: {  	[sflag:s15] =	ssyncset.done $0x0  }
0x33: {  	[sflag:s15] =	ssyncadd.s32 $0xFFFFE000  }
0x34: {  	[spmem:s11] =	stream.linear.scatter [tilespmem:s17], [sflag:$0x5], $0x2000, $0x38;
	[tilespmem:$0x1D000] =	vst v63  }
0x35: {  	_ =	swait.ge [sflag:s15], $0x2000  }
0x36: {  	[sflag:s15] =	ssyncset.done $0x0  }
0x37: {  	[sflag:s15] =	ssyncadd.s32 $0xFFFFE000  }
0x38: {  	[spmem:s19], [sflag:s18] =	dma.local [hbm:s12], $0x1400  }
0x39: {  	_ =	swait.ge [sflag:s15], $0x1400  }
0x3a: {  	[sflag:s15] =	ssyncset.done $0x0  }
0x3b: {  	[sflag:s15] =	ssyncadd.s32 $0xFFFFEC00  }
0x3c: {  	s0 =	simm.s32 $0x0;
	[bflag:$0x0] =	sbarrier.arrive $0xFFFF  }
0x3d: {  	[tilespmem:s17], [sflag:$0x1] =	stream.indirect.gather [spmem:s3], $0x40, s0, s20, $0xb8;
	[tilespmem:$0x1D000] =	vst v63  }
0x3e: {  	_ = 	snop  }
0x3f: {  	[tilespmem:s21], [sflag:$0x2] =	stream.indirect.gather [spmem:s3], $0x40, s20, s20, $0xb8;
	[tilespmem:$0x1D000] =	vst v63  }
0x40: {  	_ =	swait.ge [sflag:s22], $0x2000  }
0x41: {  	[sflag:s22] =	ssyncset.done $0x0  }
0x42: {  	s31 =	simm.s32 $0x2800;
	[sflag:s22] =	ssyncadd.s32 $0xFFFFE000  }
0x43: {  	[spmem:s2] =	stream.indirect.scatter.add.f32 [tilespmem:s17], [sflag:$0x3], $0x40, s31, s20, $0xb8;
	[tilespmem:$0x1D000] =	vst v63  }
0x44: {  	_ =	swait.ge [sflag:s23], $0x2000  }
0x45: {  	[sflag:s23] =	ssyncset.done $0x0  }
0x46: {  	s1 =	simm.s32 $0x2880;
	[sflag:s23] =	ssyncadd.s32 $0xFFFFE000  }
0x47: {  	[spmem:s2] =	stream.indirect.scatter.add.f32 [tilespmem:s21], [sflag:$0x4], $0x40, s1, s20, $0xb8;
	[tilespmem:$0x1D000] =	vst v63  }
0x48: {  	_ =	swait.ge [sflag:s24], $0x2000  }
0x49: {  	[sflag:s24] =	ssyncset.done $0x0  }
0x4a: {  	s31 =	simm.s32 $0x100;
	[sflag:s24] =	ssyncadd.s32 $0xFFFFE000  }
0x4b: {  	[tilespmem:s17], [sflag:$0x1] =	stream.indirect.gather [spmem:s3], $0x40, s31, s20, $0xb8;
	[tilespmem:$0x1D000] =	vst v63  }
0x4c: {  	_ =	swait.ge [sflag:s25], $0x2000  }
0x4d: {  	[sflag:s25] =	ssyncset.done $0x0  }
0x4e: {  	s30 =	simm.s32 $0x400;
	s1 =	simm.s32 $0x180;
	[sflag:s25] =	ssyncadd.s32 $0xFFFFE000  }
.LBB2_4:
0x4f: {  	[tilespmem:s21], [sflag:$0x2] =	stream.indirect.gather [spmem:s3], $0x40, s1, s20, $0xb8;
	[tilespmem:$0x1D000] =	vst v63  }
0x50: {  	s0 =	smov.u32 s30  }
0x51: {  	p0 =	sne.s32 s30, $0x9800;
	s30 =	sadd.s32 $0x400, s30;
	_ =	swait.ge [sflag:s22], $0x2000  }
0x52: {  	s0 =	sshra.s32 s0, $0x2;
	[sflag:s22] =	ssyncset.done $0x0  }
0x53: {  	s1 =	sadd.s32 $0x2800, s0;
	[sflag:s22] =	ssyncadd.s32 $0xFFFFE000  }
0x54: {  	[spmem:s2] =	stream.indirect.scatter.add.f32 [tilespmem:s17], [sflag:$0x3], $0x40, s1, s20, $0xb8;
	[tilespmem:$0x1D000] =	vst v63  }
0x55: {  	_ =	swait.ge [sflag:s23], $0x2000  }
0x56: {  	[sflag:s23] =	ssyncset.done $0x0  }
0x57: {  	s1 =	sadd.s32 $0x2880, s0;
	[sflag:s23] =	ssyncadd.s32 $0xFFFFE000  }
0x58: {  	[spmem:s2] =	stream.indirect.scatter.add.f32 [tilespmem:s21], [sflag:$0x4], $0x40, s1, s20, $0xb8;
	[tilespmem:$0x1D000] =	vst v63  }
0x59: {  	_ =	swait.ge [sflag:s24], $0x2000  }
0x5a: {  	[sflag:s24] =	ssyncset.done $0x0  }
.Ltmp1:
0x5b: {  	s1 =	sadd.s32 $0x100, s0;
	[sflag:s24] =	ssyncadd.s32 $0xFFFFE000;
	(pc) =	sbr.rel @p0 .LBB2_4-.Ltmp1, $4  }
0x5c: {  	[tilespmem:s17], [sflag:$0x1] =	stream.indirect.gather [spmem:s3], $0x40, s1, s20, $0xb8;
	[tilespmem:$0x1D000] =	vst v63  }
0x5d: {  	_ =	swait.ge [sflag:s25], $0x2000  }
0x5e: {  	[sflag:s25] =	ssyncset.done $0x0  }
0x5f: {  	s1 =	sadd.s32 $0x180, s0;
	[sflag:s25] =	ssyncadd.s32 $0xFFFFE000  }
0x60: {  	[tilespmem:s21], [sflag:$0x2] =	stream.indirect.gather [spmem:s3], $0x40, s1, s20, $0xb8;
	[tilespmem:$0x1D000] =	vst v63  }
0x61: {  	_ =	swait.ge [sflag:s22], $0x2000  }
0x62: {  	[sflag:s22] =	ssyncset.done $0x0  }
0x63: {  	[sflag:s22] =	ssyncadd.s32 $0xFFFFE000  }
0x64: {  	[spmem:s2] =	stream.indirect.scatter.add.f32 [tilespmem:s17], [sflag:$0x3], $0x40, s26, s20, $0xb8;
	[tilespmem:$0x1D000] =	vst v63  }
0x65: {  	_ =	swait.ge [sflag:s23], $0x2000  }
0x66: {  	[sflag:s23] =	ssyncset.done $0x0  }
0x67: {  	[sflag:s23] =	ssyncadd.s32 $0xFFFFE000  }
0x68: {  	[spmem:s2] =	stream.indirect.scatter.add.f32 [tilespmem:s21], [sflag:$0x4], $0x40, s28, s20, $0xb8;
	[tilespmem:$0x1D000] =	vst v63  }
0x69: {  	_ =	swait.ge [sflag:s24], $0x2000  }
0x6a: {  	[sflag:s24] =	ssyncset.done $0x0  }
0x6b: {  	[sflag:s24] =	ssyncadd.s32 $0xFFFFE000  }
0x6c: {  	_ =	swait.ge [sflag:s25], $0x2000  }
0x6d: {  	s29 =	sadd.s32 $0x1, s29;
	[sflag:s25] =	ssyncset.done $0x0  }
0x6e: {  	p0 =	sne.s32 s29, s14;
	[sflag:s25] =	ssyncadd.s32 $0xFFFFE000  }
.Ltmp2:
0x6f: {  	s0 =	sshrl.u32 s7, $0x3;
	[bflag:$0x0] =	sbarrier.arrive $0xFFFF;
	(pc) =	sbr.rel @p0 .LBB2_1-.Ltmp2, $4  }
0x70: {  	[hbm:s13], [sflag:s18] =	dma.local [spmem:s0], $0x1400  }
0x71: {  	_ =	swait.ge [sflag:s15], $0x1400  }
0x72: {  	[sflag:s15] =	ssyncset.done $0x0  }
0x73: {  	[sflag:s15] =	ssyncadd.s32 $0xFFFFEC00  }
0x74: {  	_ =	sfence.sel $0x180000  }
0x75: {  	[bflag:$0x0] =	sbarrier.arrive $0xFFFF  }
0x76: {  	_ =	strace $0x9000004D  }
0x77: {  	s0 =	stileid.u32;
	[bflag:$0x2] =	sbarrier.arrive $0xFFFF  }
0x78: {  	p0 =	sne.s32 s0, $0x0;
	s0 =	rddreg [dreg:$0x4]  }
0x79: {  	s0 =	sadd.s32 @!p0 $0x100000, s0  }
0x7a: {  	[sflag:s0] =	ssyncadd.tile.s32 @!p0 $0x1;
	_ =	shalt  }
.Lfunc_end2:
_tile_overlayer_lowered:
.L_overlay_start_2:
0x7b: {  	(tag) =	ssettag $0x2  }
0x7c: {  	s0 =	rddreg [dreg:$0x0];
	s2 =	stileid.u32  }
0x7d: {  	s1 =	rddreg [dreg:$0x1];
	p0 =	sne.s32 s2, $0x0  }
0x7e: {  	s3 =	rddreg [dreg:$0x2];
	[bflag:$0x3] =	sbarrier.arrive $0xFFFF;
	s2 =	simm.s32 @!p0 $0x1C05  }
0x7f: {  	[timem:s3], [sflag:s2] =	dma.local @!p0 [hbm:s0], s1  }
0x80: {  	s0 =	simm.s32 @!p0 $0x5  }
0x81: {  	_ =	swait.ge @!p0 [sflag:s0], s1  }
0x82: {  	s1 =	ssub.s32 @!p0 $0x0, s1;
	[sflag:s0] =	ssyncset.done @!p0 $0x0  }
0x83: {  	[sflag:s0] =	ssyncadd.s32 @!p0 s1  }
0x84: {  	[bflag:$0x3] =	sbarrier.arrive $0xFFFF  }
0x85: {  	_ =	shalt  }

// kernel: kernel.8.cloned.1.call-start
scs
__scs_entry_jumppad:
0x0: {  	(pc) =	sbr.rel $0x88, $3  }
0x1: {  	(tag) =	ssettag $0x0;
	lr =	simm.s32 $0x1  }
0x2: {  	[smem:$0x3F99] =	sst lr;
	_ =	strace $0xD0000000  }
0x3: {  	_ = 	snop  }
0x4: {  	_ = 	snop  }
0x5: {  	_ = 	snop  }
0x6: {  	_ = 	snop  }
0x7: {  	_ = 	snop  }
__scs_overlays_trampoline_lowered:
0x8: {  	[smem:$0x3FA8] =	sst s0  }
0x9: {  	[smem:$0x3FA9] =	sst s1  }
0xa: {  	[smem:$0x3FAA] =	sst s2  }
0xb: {  	[smem:$0x3FAB] =	sst s3  }
0xc: {  	[smem:$0x3FAC] =	sst s4  }
0xd: {  	[smem:$0x3FAD] =	sst s5  }
0xe: {  	[smem:$0x3FAE] =	sst s6  }
0xf: {  	[smem:$0x3FAF] =	sst s7  }
0x10: {  	[smem:$0x3FB0] =	sst s8  }
0x11: {  	[smem:$0x3FB1] =	sst s9;
	s0 =	simm.s32 @!p0 $0x0  }
0x12: {  	s1 =	sld [smem:$0x3F97];
	s0 =	simm.s32 @p0 $0x1  }
0x13: {  	[smem:$0x3FB2] =	sst s0;
	s0 =	simm.s32 @!p1 $0x0  }
0x14: {  	s2 =	sld [smem:$0x3F96];
	s0 =	simm.s32 @p1 $0x1  }
0x15: {  	[smem:$0x3FB3] =	sst s0;
	s0 =	simm.s32 @!p2 $0x0  }
0x16: {  	s3 =	sld [smem:$0x3FDB];
	s0 =	simm.s32 @p2 $0x1  }
0x17: {  	s4 =	simm.s32 $0x1BF5;
	[smem:$0x3FB5] =	sst s0  }
0x18: {  	s0 =	sld [smem:$0x3F98];
	_ =	swait.ge [sflag:s4], $0x0  }
0x19: {  	s7 =	sld [smem:$0x3F99]  }
0x1a: {  	s8 =	sadd.s32 $0xFFFFE003, lr  }
0x1b: {  	s9 =	sadd.s32 $0xFFFFFEF7, lr;
	s5 =	simm.s32 $0xFFFFFFFF;
	p2 =	slt.u32 s8, $0xFFFFF086  }
0x1c: {  	p1 =	slt.u32 s9, $0xF7A;
	s5 =	simm.s32 @!p2 $0x0  }
0x1d: {  	s5 =	simm.s32 @p1 $0x1;
	p0 =	seq.s32 s7, s2  }
0x1e: {  	s7 =	smul.u32 @!p0 $0xF7A, s2;
	p2 =	seq.s32 @!p0 s5, $0x0  }
0x1f: {  	s9 =	smul.u32 $0xF7A, s1;
	s8 =	simm.s32 @!p0 $0x1BF5;
	p2 =	por !p2, p0  }
0x20: {  	[sflag:s8] =	ssyncset.s32 @!p0 $0xFFFFF086;
	s6 =	sadd.s32 @!p0 s3, s7;
	s7 =	simm.s32 @!p0 $0x108  }
0x21: {  	s3 =	sadd.s32 s3, s9;
	s6 =	sadd.s32 @!p0 $0x88, s6;
	s7 =	simm.s32 @p2 $0x1082  }
0x22: {  	[simem:s7], [sflag:s8] =	dma.local @!p0 [hbm:s6], $0xF7A  }
0x23: {  	s9 =	sor.u32 $0xD0000000, s2;
	s6 =	simm.s32 $0x108;
	_ =	swait.ge @!p0 [sflag:s8], $0x0  }
0x24: {  	s3 =	sadd.s32 $0x88, s3;
	s6 =	simm.s32 @!p1 $0x1082;
	[sflag:s4] =	ssyncset.s32 $0xFFFFF086  }
0x25: {  	[simem:s6], [sflag:s4] =	dma.local [hbm:s3], $0xF7A  }
0x26: {  	[smem:$0x3F99] =	sst s1;
	(tag) =	ssettag s2;
	_ =	strace s9  }
0x27: {  	s1 =	sld [smem:$0x3FA9]  }
0x28: {  	s2 =	sld [smem:$0x3FAA]  }
0x29: {  	s4 =	sld [smem:$0x3FAC]  }
0x2a: {  	p0 =	seq.s32 s5, $0x0;
	s5 =	sld [smem:$0x3FAD]  }
0x2b: {  	s6 =	sld [smem:$0x3FAE]  }
0x2c: {  	s7 =	sld [smem:$0x3FAF]  }
0x2d: {  	s3 =	simm.s32 $0x108;
	s8 =	sld [smem:$0x3FB0]  }
0x2e: {  	s3 =	simm.s32 @!p0 $0x1082;
	s9 =	sld [smem:$0x3FB1]  }
0x2f: {  	lr =	sadd.s32 s0, s3;
	s0 =	sld [smem:$0x3FA8]  }
0x30: {  	s3 =	sld [smem:$0x3FAB]  }
0x31: {  	[smem:$0x3FB4] =	sst s10  }
0x32: {  	s10 =	sld [smem:$0x3FB2];
	_ =	sdelay $0x3  }
0x33: {  	p0 =	seq.s32 s10, $0x1;
	s10 =	sld [smem:$0x3FB4];
	_ =	sdelay $0x3  }
0x34: {  	[smem:$0x3FB4] =	sst s10  }
0x35: {  	s10 =	sld [smem:$0x3FB3];
	_ =	sdelay $0x3  }
0x36: {  	p1 =	seq.s32 s10, $0x1;
	s10 =	sld [smem:$0x3FB4];
	_ =	sdelay $0x3  }
0x37: {  	[smem:$0x3FB4] =	sst s10  }
0x38: {  	s10 =	sld [smem:$0x3FB5]  }
0x39: {  	_ = 	snop;
	(pc) =	sbr.ind lr, $3  }
0x3a: {  	_ = 	snop  }
0x3b: {  	_ = 	snop  }
0x3c: {  	p2 =	seq.s32 s10, $0x1;
	s10 =	sld [smem:$0x3FB4]  }
0x3d: {  	_ =	shalt  }
0x3e: {  	_ =	shalt  }
0x3f: {  	_ =	shalt  }
0x40: {  	_ =	shalt  }
0x41: {  	_ =	shalt  }
0x42: {  	_ =	shalt  }
0x43: {  	_ =	shalt  }
0x44: {  	_ =	shalt  }
0x45: {  	_ =	shalt  }
0x46: {  	_ =	shalt  }
0x47: {  	_ =	shalt  }
0x48: {  	_ =	shalt  }
0x49: {  	_ =	shalt  }
0x4a: {  	_ =	shalt  }
0x4b: {  	_ =	shalt  }
0x4c: {  	_ =	shalt  }
0x4d: {  	_ =	shalt  }
0x4e: {  	_ =	shalt  }
0x4f: {  	_ =	shalt  }
0x50: {  	_ =	shalt  }
0x51: {  	_ =	shalt  }
0x52: {  	_ =	shalt  }
0x53: {  	_ =	shalt  }
0x54: {  	_ =	shalt  }
0x55: {  	_ =	shalt  }
0x56: {  	_ =	shalt  }
0x57: {  	_ =	shalt  }
0x58: {  	_ =	shalt  }
0x59: {  	_ =	shalt  }
0x5a: {  	_ =	shalt  }
0x5b: {  	_ =	shalt  }
0x5c: {  	_ =	shalt  }
0x5d: {  	_ =	shalt  }
0x5e: {  	_ =	shalt  }
0x5f: {  	_ =	shalt  }
0x60: {  	_ =	shalt  }
0x61: {  	_ =	shalt  }
0x62: {  	_ =	shalt  }
0x63: {  	_ =	shalt  }
0x64: {  	_ =	shalt  }
0x65: {  	_ =	shalt  }
0x66: {  	_ =	shalt  }
0x67: {  	_ =	shalt  }
0x68: {  	_ =	shalt  }
0x69: {  	_ =	shalt  }
0x6a: {  	_ =	shalt  }
0x6b: {  	_ =	shalt  }
0x6c: {  	_ =	shalt  }
0x6d: {  	_ =	shalt  }
0x6e: {  	_ =	shalt  }
0x6f: {  	_ =	shalt  }
0x70: {  	_ =	shalt  }
0x71: {  	_ =	shalt  }
0x72: {  	_ =	shalt  }
0x73: {  	_ =	shalt  }
0x74: {  	_ =	shalt  }
0x75: {  	_ =	shalt  }
0x76: {  	_ =	shalt  }
0x77: {  	_ =	shalt  }
0x78: {  	_ =	shalt  }
0x79: {  	_ =	shalt  }
0x7a: {  	_ =	shalt  }
0x7b: {  	_ =	shalt  }
0x7c: {  	_ =	shalt  }
0x7d: {  	_ =	shalt  }
0x7e: {  	_ =	shalt  }
0x7f: {  	_ =	shalt  }
0x80: {  	_ =	shalt  }
0x81: {  	_ =	shalt  }
0x82: {  	_ =	shalt  }
0x83: {  	_ =	shalt  }
0x84: {  	_ =	shalt  }
0x85: {  	_ =	shalt  }
0x86: {  	_ =	shalt  }
0x87: {  	_ =	shalt  }
.Lfunc_end0:
.L_simem_size_0:
called_computation_lowered:
.L_overlay_start_0:
0x88: {  	s2 =	sld [smem:$0x3FD9]  }
0x89: {  	s3 =	sld [smem:$0x3FFE];
	_ =	sdelay $0x1  }
0x8a: {  	s1 =	srdreg.scid  }
0x8b: {  	s0 =	sand.u32 $0x1, s1  }
0x8c: {  	s16 =	sshll.u32 s0, $0xA;
	s2 =	sadd.s32 s3, s2  }
0x8d: {  	s2 =	sadd.s32 s2, s16  }
0x8e: {  	[smem:$0x3FC0] =	sst s2  }
0x8f: {  	_ = 	snop  }
0x90: {  	(tm) =	ssettm $0x1  }
0x91: {  	s17 =	sld [smem:$0x3FFB];
	_ =	sdelay $0x3  }
0x92: {  	_ =	strace s17  }
0x93: {  	s2 =	sld [smem:$0x3FFC];
	_ =	sdelay $0x3  }
0x94: {  	_ =	strace s2  }
0x95: {  	s2 =	sld [smem:$0x3FFD];
	_ =	sdelay $0x3  }
0x96: {  	_ =	strace s2  }
0x97: {  	_ =	strace $0x8FFFFFFF  }
0x98: {  	s18 =	sld [smem:$0x3FDB];
	_ =	sdelay $0x1  }
0x99: {  	s19 =	simm.s32 $_scs_section_size  }
0x9a: {  	s4 =	simm.s32 $_size__tile_overlayer_lowered;
	s5 =	simm.s32 $_tile_overlayer_lowered  }
0x9b: {  	s22 =	simm.s32 $0x1BFF;
	s21 =	sshll.u32 s5, $0x1;
	s2 =	sadd.s32 s19, s18  }
0x9c: {  	s6 =	simm.s32 $0x0;
	s20 =	sshll.u32 s4, $0x1;
	s4 =	sadd.s32 s21, s2  }
0x9d: {  	[timem:s6], [sflag:s22] =	dma.local [hbm:s4], s20  }
0x9e: {  	_ =	swait.ge [sflag:s22], s20  }
0x9f: {  	s3 =	ssub.s32 $0x0, s20;
	[sflag:s22] =	ssyncset.done $0x0  }
0xa0: {  	[sflag:s22] =	ssyncadd.s32 s3;
	_ =	sdelay $0x1  }
0xa1: {  	s23 =	simm.s32 $0x1B8B  }
0xa2: {  	_ =	swait.ge [sflag:s23], $0x1  }
0xa3: {  	[sflag:s23] =	ssyncset.done $0x0  }
0xa4: {  	s25 =	simm.s32 $0x1B8E;
	s24 =	sld [smem:$0x3FFE];
	[sflag:s23] =	ssyncadd.s32 $0xFFFFFFFF  }
0xa5: {  	s26 =	simm.s32 $execute0_lowered;
	[smem:$0x3FD2] =	sst s25  }
0xa6: {  	s4 =	sshll.u32 s26, $0x1;
	_ =	strace $0x80000046;
	[dreg:$0x1] =	wrdreg $0xFFFFFFFF  }
0xa7: {  	s28 =	simm.s32 $_size_execute0_lowered;
	s2 =	sadd.s32 s2, s4;
	[dreg:$0x0] =	wrdreg $0x0  }
0xa8: {  	s4 =	sshll.u32 s28, $0x1;
	[dreg:$0x2] =	wrdreg s2  }
0xa9: {  	[dreg:$0x3] =	wrdreg s4  }
0xaa: {  	[dreg:$0x4] =	wrdreg $0xC0  }
0xab: {  	_ =	task [dreg:s6], $0x5FFFF  }
0xac: {  	[dreg:$0x1] =	wrdreg $0xFFFFFFFF  }
0xad: {  	[dreg:$0x0] =	wrdreg $0x60  }
0xae: {  	[dreg:$0x2] =	wrdreg s24  }
0xaf: {  	[dreg:$0x3] =	wrdreg $0xCB800  }
0xb0: {  	[dreg:$0x4] =	wrdreg $0x9  }
0xb1: {  	_ =	task.clear_ibuf [dreg:s6], $0x5FFFF;
	_ =	strace $0x90000046  }
0xb2: {  	s29 =	simm.s32 $0x9;
	_ =	strace $0x80000048  }
0xb3: {  	_ =	swait.ge [sflag:s29], $0x1  }
0xb4: {  	[sflag:s29] =	ssyncadd.s32 $0xFFFFFFFF  }
0xb5: {  	_ =	strace $0x90000048  }
0xb6: {  	_ =	sfence  }
0xb7: {  	s30 =	sld [smem:$0x0];
	_ =	sdelay $0x2  }
0xb8: {  	s31 =	sshll.u32 s1, $0xD;
	s1 =	sshrl.u32 s1, $0x2  }
0xb9: {  	s3 =	sand.u32 $0x4000, s31;
	s1 =	sadd.s32 s1, s30  }
0xba: {  	s0 =	sor.u32 s3, s0;
	s1 =	sshll.u32 s1, $0x11  }
0xbb: {  	s0 =	sor.u32 s1, s0  }
0xbc: {  	s0 =	sadd.s32 $0x8F2B, s0  }
0xbd: {  	[sflag:s0] =	ssyncadd.remote.s32 $0x1  }
0xbe: {  	_ =	sfence.sel $0xFFFF  }
0xbf: {  	[dreg:$0x0] =	wrdreg $0xFFFFFFFF;
	(pc) =	sbr.abs _section_cstart, $3  }
0xc0: {  	[dreg:$0x1] =	wrdreg $0xFFFFFFFF  }
0xc1: {  	_ =	task.clear_ibuf [dreg:s6], $0x2FFFF;
	_ =	strace $0x9FFFFFFF  }
0xc2: {  	(tm) =	ssettm $0x7FFFFFFF  }
0xc3: {  	_ =	shalt  }
tec
execute0_lowered:
.L_overlay_start_1:
0x0: {  	(tag) =	ssettag $0x1  }
0x1: {  	s0 =	srdreg.scid;
	s5 =	rddreg [dreg:$0x0]  }
0x2: {  	s2 =	rddreg [dreg:$0x1];
	s3 =	simm.s32 $0x0;
	s12 =	simm.s32 $0x1  }
0x3: {  	s13 =	simm.s32 $0x2880;
	s14 =	simm.s32 $0x80;
	s15 =	simm.s32 $0x2800  }
0x4: {  	s16 =	simm.s32 $0x2900;
	s17 =	simm.s32 $0x2B80;
	s4 =	sand.u32 $0x1, s0  }
0x5: {  	s18 =	simm.s32 $0x0;
	s0 =	stileid.u32;
	s7 =	smul.u32 $0xA0000, s4  }
0x6: {  	[smem:$0x7FF] =	sst s3;
	s1 =	sshll.u32 s4, $0x4;
	s8 =	smul.u32 $0xA000, s0  }
0x7: {  	s9 =	smul.u32 $0xA00, s0;
	s29 =	ssub.s32 $0x2, s4;
	s1 =	sor.u32 s0, s1  }
0x8: {  	s31 =	sshrl.u32 s29, $0x1;
	s6 =	smul.u32 $0x500, s1;
	s1 =	rddreg [dreg:$0x2]  }
0x9: {  	_ =	strace $0x80000047;
	s7 =	sadd.s32 s8, s7;
	s30 =	sshrl.u32 s9, $0x2  }
0xa: {  	s11 =	ssub.s32 s29, s31;
	s7 =	sshrl.u32 s7, $0x3;
	s4 =	sadd.s32 s30, s2  }
0xb: {  	s11 =	smax.u32 s11, $0x1;
	s6 =	sadd.s32 s6, s5;
	s10 =	sadd.s32 s7, s5  }
0xc: {  	s7 =	sadd.s32 $0x100, s4;
	s8 =	sadd.s32 $0x180, s4;
	s9 =	sadd.s32 $0x200, s4  }
0xd: {  	v0 =	vimm.f32 $1.000000000e+00;
	v1 =	vimm.f32 $0.0e+00;
	s5 =	sadd.s32 $0x2800, s6;
	s6 =	sadd.s32 $0x80, s4;
	s10 =	sadd.s32 $0xC800, s10  }
.LBB2_1:
0xe: {  	[tilespmem:s3], [sflag:$0x1] =	stream.linear.gather [hbm4b:s5+s3], $0x2800, $0x38;
	[tilespmem:$0xCE00] =	vst v63  }
0xf: {  	_ =	swait.ge [sflag:s12], $0x2800  }
0x10: {  	[sflag:s12] =	ssyncset.done $0x0  }
0x11: {  	[sflag:s12] =	ssyncadd.s32 $0xFFFFD800  }
0x12: {  	[tilespmem:$0x2800] =	vst v0  }
0x13: {  	[tilespmem:$0x2880] =	vst v1  }
0x14: {  	[tilespmem:$0x2810] =	vst v0  }
0x15: {  	[tilespmem:$0x2890] =	vst v1  }
0x16: {  	[tilespmem:$0x2820] =	vst v0  }
0x17: {  	[tilespmem:$0x28A0] =	vst v1  }
0x18: {  	[tilespmem:$0x2830] =	vst v0  }
0x19: {  	[tilespmem:$0x28B0] =	vst v1  }
0x1a: {  	[tilespmem:$0x2840] =	vst v0  }
0x1b: {  	[tilespmem:$0x28C0] =	vst v1  }
0x1c: {  	[tilespmem:$0x2850] =	vst v0  }
0x1d: {  	[tilespmem:$0x28D0] =	vst v1  }
0x1e: {  	[tilespmem:$0x2860] =	vst v0  }
0x1f: {  	[tilespmem:$0x28E0] =	vst v1  }
0x20: {  	[tilespmem:$0x2870] =	vst v0  }
0x21: {  	[tilespmem:$0x28F0] =	vst v1  }
0x22: {  	[spmem:s4] =	stream.linear.scatter [tilespmem:s13], [sflag:$0x1], $0x80, $0x38;
	[tilespmem:$0xCE00] =	vst v63  }
0x23: {  	_ =	swait.ge [sflag:s12], $0x80  }
0x24: {  	[sflag:s12] =	ssyncset.done $0x0  }
0x25: {  	[sflag:s12] =	ssyncadd.s32 $0xFFFFFF80  }
0x26: {  	[spmem:s6] =	stream.linear.scatter [tilespmem:s13], [sflag:$0x1], $0x80, $0x38;
	[tilespmem:$0xCE00] =	vst v63  }
0x27: {  	_ =	swait.ge [sflag:s12], $0x80  }
0x28: {  	[sflag:s12] =	ssyncset.done $0x0  }
0x29: {  	[sflag:s12] =	ssyncadd.s32 $0xFFFFFF80  }
0x2a: {  	[spmem:s7] =	stream.linear.scatter [tilespmem:s13], [sflag:$0x1], $0x80, $0x38;
	[tilespmem:$0xCE00] =	vst v63  }
0x2b: {  	_ =	swait.ge [sflag:s12], $0x80  }
0x2c: {  	[sflag:s12] =	ssyncset.done $0x0  }
0x2d: {  	[sflag:s12] =	ssyncadd.s32 $0xFFFFFF80  }
0x2e: {  	[spmem:s8] =	stream.linear.scatter [tilespmem:s13], [sflag:$0x1], $0x80, $0x38;
	[tilespmem:$0xCE00] =	vst v63  }
0x2f: {  	_ =	swait.ge [sflag:s12], $0x80  }
0x30: {  	[sflag:s12] =	ssyncset.done $0x0  }
0x31: {  	[sflag:s12] =	ssyncadd.s32 $0xFFFFFF80  }
0x32: {  	[spmem:s9] =	stream.linear.scatter [tilespmem:s13], [sflag:$0x1], $0x80, $0x38;
	[tilespmem:$0xCE00] =	vst v63  }
0x33: {  	_ =	swait.ge [sflag:s12], $0x80  }
0x34: {  	[sflag:s12] =	ssyncset.done $0x0  }
0x35: {  	[sflag:s12] =	ssyncadd.s32 $0xFFFFFF80  }
0x36: {  	s19 =	simm.s32 $0x0;
	[bflag:$0x0] =	sbarrier.arrive $0xFFFF  }
0x37: {  	[spmem:s2] =	stream.indirect.scatter.add.f32 [tilespmem:s15], [sflag:$0x1], $0x1, s19, s14, $0xb8;
	[tilespmem:$0xCE00] =	vst v63  }
0x38: {  	_ =	swait.ge [sflag:s12], $0x80  }
0x39: {  	s19 =	simm.s32 $0x200;
	[sflag:s12] =	ssyncset.done $0x0  }
.LBB2_2:
0x3a: {  	s20 =	sshra.s32 s19, $0x2;
	[sflag:s12] =	ssyncadd.s32 $0xFFFFFF80;
	p0 =	sne.s32 s19, $0x9E00  }
0x3b: {  	[spmem:s2] =	stream.indirect.scatter.add.f32 [tilespmem:s15], [sflag:$0x1], $0x1, s20, s14, $0xb8;
	[tilespmem:$0xCE00] =	vst v63  }
.Ltmp0:
0x3c: {  	_ = 	snop;
	(pc) =	sbr.rel @p0 .LBB2_2-.Ltmp0, $4  }
0x3d: {  	_ = 	snop  }
0x3e: {  	s19 =	sadd.s32 $0x200, s19  }
0x3f: {  	_ =	swait.ge [sflag:s12], $0x80  }
0x40: {  	[sflag:s12] =	ssyncset.done $0x0  }
0x41: {  	[sflag:s12] =	ssyncadd.s32 $0xFFFFFF80;
	s19 =	simm.s32 $0x0  }
0x42: {  	[bflag:$0x0] =	sbarrier.arrive $0xFFFF;
	v2 =	vmov s19  }
0x43: {  	[tilespmem:s16], [sflag:$0x1] =	stream.linear.gather [spmem:s4], $0x280, $0x38;
	[tilespmem:$0xCE00] =	vst v63  }
0x44: {  	_ =	swait.ge [sflag:s12], $0x280  }
0x45: {  	[sflag:s12] =	ssyncset.done $0x0  }
0x46: {  	[sflag:s12] =	ssyncadd.s32 $0xFFFFFD80  }
0x47: {  	v2 =	vld.idx.msk [tilespmem:v2+s16+$0x0], $0xffff;
	_ =	sdelay $0x2  }
0x48: {  	s20 =	simm.s32 $0x1  }
0x49: {  	v3 =	vmov s20;
	s20 =	simm.s32 $0x2;
	s21 =	sand.u32 $0xFFC0, s19  }
.LBB2_4:
0x4a: {  	p0 =	sne.s32 s20, $0x27F;
	[tilespmem:s21+$0x2B80] =	vst v2  }
0x4b: {  	[tilespmem:s21+$0x2B90] =	vst v2  }
0x4c: {  	[tilespmem:s21+$0x2BA0] =	vst v2  }
0x4d: {  	[tilespmem:s21+$0x2BB0] =	vst v2  }
0x4e: {  	v2 =	vld.idx.msk [tilespmem:v3+s16+$0x0], $0xffff  }
.Ltmp1:
0x4f: {  	(pc) =	sbr.rel @p0 .LBB2_4-.Ltmp1, $3  }
0x50: {  	_ =	sdelay $0x1  }
0x51: {  	s19 =	sadd.s32 $0x40, s19  }
0x52: {  	s21 =	sand.u32 $0xFFC0, s19;
	v3 =	vmov s20;
	s20 =	sadd.s32 $0x1, s20  }
0x53: {  	[tilespmem:s21+$0x2B80] =	vst v2  }
0x54: {  	[tilespmem:s21+$0x2B90] =	vst v2  }
0x55: {  	[tilespmem:s21+$0x2BA0] =	vst v2  }
0x56: {  	[tilespmem:s21+$0x2BB0] =	vst v2  }
0x57: {  	v2 =	vld.idx.msk [tilespmem:v3+s16+$0x0], $0xffff;
	_ =	sdelay $0x2  }
0x58: {  	s19 =	sadd.s32 $0x40, s19  }
0x59: {  	s19 =	sand.u32 $0xFFC0, s19  }
0x5a: {  	[tilespmem:s19+$0x2B80] =	vst v2  }
0x5b: {  	s18 =	sadd.s32 $0x1, s18;
	[tilespmem:s19+$0x2B90] =	vst v2  }
0x5c: {  	p0 =	sne.s32 s18, s11;
	[tilespmem:s19+$0x2BA0] =	vst v2  }
.Ltmp2:
0x5d: {  	[tilespmem:s19+$0x2BB0] =	vst v2;
	(pc) =	sbr.rel @p0 .LBB2_1-.Ltmp2, $4  }
0x5e: {  	[hbm4b:s10+s3] =	stream.linear.scatter [tilespmem:s17], [sflag:$0x1], $0xA000, $0x38;
	[tilespmem:$0xCE00] =	vst v63  }
0x5f: {  	_ =	swait.ge [sflag:s12], $0xA000  }
0x60: {  	[sflag:s12] =	ssyncset.done $0x0  }
0x61: {  	[sflag:s12] =	ssyncadd.s32 $0xFFFF6000  }
0x62: {  	_ =	sfence.sel $0x180000  }
0x63: {  	[bflag:$0x0] =	sbarrier.arrive $0xFFFF  }
0x64: {  	p0 =	sne.s32 s0, $0x0;
	_ =	strace $0x90000047  }
0x65: {  	s0 =	sadd.s32 @!p0 $0x100000, s1;
	[bflag:$0x2] =	sbarrier.arrive $0xFFFF  }
0x66: {  	[sflag:s0] =	ssyncadd.tile.s32 @!p0 $0x1;
	_ =	shalt  }
.Lfunc_end2:
_tile_overlayer_lowered:
.L_overlay_start_2:
0x67: {  	(tag) =	ssettag $0x2  }
0x68: {  	s0 =	rddreg [dreg:$0x0];
	s2 =	stileid.u32  }
0x69: {  	s1 =	rddreg [dreg:$0x1];
	p0 =	sne.s32 s2, $0x0  }
0x6a: {  	s3 =	rddreg [dreg:$0x2];
	[bflag:$0x3] =	sbarrier.arrive $0xFFFF;
	s2 =	simm.s32 @!p0 $0x1C01  }
0x6b: {  	[timem:s3], [sflag:s2] =	dma.local @!p0 [hbm:s0], s1  }
0x6c: {  	s0 =	simm.s32 @!p0 $0x1  }
0x6d: {  	_ =	swait.ge @!p0 [sflag:s0], s1  }
0x6e: {  	s1 =	ssub.s32 @!p0 $0x0, s1;
	[sflag:s0] =	ssyncset.done @!p0 $0x0  }
0x6f: {  	[sflag:s0] =	ssyncadd.s32 @!p0 s1  }
0x70: {  	[bflag:$0x3] =	sbarrier.arrive $0xFFFF  }
0x71: {  	_ =	shalt  }

</sc_bundles>
